<compile_context>
chip_gen: v7x
topology: tpu7x:2x2x1
jax: 0.10.2.dev20260603
libtpu: 0.0.44.dev20260713+nightly
codegen_flags: <defaults>
</compile_context>

<pallas_src>
import functools

import jax
import jax.numpy as jnp
from jax import lax
from jax.experimental import pallas as pl
from jax.experimental.pallas import tpu as pltpu
from jax.experimental.pallas import tpu_sc as plsc

_LOG2E2 = 2.0 * 1.4426950408889634



@functools.lru_cache(maxsize=None)
def _make_sc_gather(total, D):
    info = plsc.get_sparse_core_info()
    NC, NS = info.num_cores, info.num_subcores
    NW = NC * NS
    CH = 128
    assert total % (NW * CH) == 0
    n_g = total // (NW * CH)
    b_per_w = n_g * CH

    mesh = plsc.VectorSubcoreMesh(core_axis_name="c", subcore_axis_name="s")

    @functools.partial(
        pl.kernel,
        mesh=mesh,
        out_type=jax.ShapeDtypeStruct((total, D), jnp.float32),
        scratch_types=[
            pltpu.VMEM((n_g, CH), jnp.int32),
            pltpu.VMEM((CH, D), jnp.float32),
            pltpu.VMEM((CH, D), jnp.float32),
            pltpu.SemaphoreType.DMA,
            pltpu.SemaphoreType.DMA,
        ],
    )
    def gather_k(table_hbm, idx_hbm, out_hbm, idx_v, rows0, rows1, sem0, sem1):
        wid = lax.axis_index("s") * NC + lax.axis_index("c")
        base = wid * b_per_w
        pltpu.sync_copy(idx_hbm.at[wid], idx_v)
        bufs = (rows0, rows1)
        sems = (sem0, sem1)
        cps = [None, None]
        cps[0] = pltpu.async_copy(table_hbm.at[idx_v.at[0]], bufs[0], sems[0])
        for g in range(n_g):
            if g + 1 < n_g:
                cps[(g + 1) % 2] = pltpu.async_copy(
                    table_hbm.at[idx_v.at[g + 1]], bufs[(g + 1) % 2],
                    sems[(g + 1) % 2])
            cps[g % 2].wait()
            pltpu.sync_copy(bufs[g % 2], out_hbm.at[pl.ds(base + g * CH, CH)])

    def run(table, idx):
        idx3 = idx.reshape(NW, n_g, CH)
        return gather_k(table, idx3)

    return run



def _nrm(x):
    return x * lax.rsqrt(jnp.maximum(jnp.sum(x * x, axis=1, keepdims=True),
                                     1e-24))


def _es(an_ref, n_ref):
    nn = _nrm(n_ref[...])
    sim2 = lax.dot_general(an_ref[...], nn.astype(jnp.bfloat16),
                           (((1,), (1,)), ((), ())),
                           preferred_element_type=jnp.float32)
    return jnp.sum(jnp.exp2(sim2.astype(jnp.bfloat16)).astype(jnp.float32),
                   axis=1, keepdims=True)


def _tail_body(which, sig_ref, prev_ref, a_ref, p_ref, n_ref,
               out_ref, acc_ref, an_ref):
    j = pl.program_id(0)
    nj = pl.num_programs(0)

    @pl.when(j == 0)
    def _():
        an_ref[...] = (_nrm(a_ref[...]) * _LOG2E2).astype(jnp.bfloat16)

    es = _es(an_ref, n_ref)

    @pl.when(j == 0)
    def _():
        acc_ref[...] = es

    @pl.when(j > 0)
    def _():
        acc_ref[...] += es

    @pl.when(j == nj - 1)
    def _():
        an = _nrm(a_ref[...])
        pn = _nrm(p_ref[...])
        pos = jnp.sum(an * pn, axis=1, keepdims=True) * 2.0
        lse = jnp.log(acc_ref[...] + jnp.exp(pos))
        part = jnp.mean(lse - pos)
        s = sig_ref[0, which]
        contrib = part / (2.0 * s * s) + jnp.log(s)
        out_ref[...] = prev_ref[...] + jnp.reshape(contrib, (1, 1))


_PARAMS = pltpu.CompilerParams(dimension_semantics=("arbitrary",))


@functools.lru_cache(maxsize=None)
def _make_tail(which, B, D, nj, noff, CB=4096):
    return pl.pallas_call(
        functools.partial(_tail_body, which),
        grid=(nj,),
        in_specs=[
            pl.BlockSpec((1, 2), lambda j: (0, 0)),
            pl.BlockSpec((1, 1), lambda j: (0, 0)),
            pl.BlockSpec((B, D), lambda j: (0, 0)),
            pl.BlockSpec((B, D), lambda j: (1, 0)),
            pl.BlockSpec((CB, D), lambda j, o=noff: (o + j, 0)),
        ],
        out_specs=pl.BlockSpec((1, 1), lambda j: (0, 0)),
        out_shape=jax.ShapeDtypeStruct((1, 1), jnp.float32),
        scratch_shapes=[
            pltpu.VMEM((B, 1), jnp.float32),
            pltpu.VMEM((B, D), jnp.bfloat16),
        ],
        compiler_params=_PARAMS,
    )


def kernel(embed, sigma, anchor_class, pos_class, neg_class,
           anchor_ingred, pos_ingred, neg_ingred):
    D = embed.shape[1]
    B = anchor_class.shape[0]
    K = neg_class.shape[0] // B
    CB = 4096
    BK = B * K
    nj = BK // CB

    idx_c = jnp.concatenate([anchor_class, pos_class, neg_class])
    idx_i = jnp.concatenate([anchor_ingred, pos_ingred, neg_ingred])
    g_full = _make_sc_gather(2 * B + BK, D)
    rows_c = g_full(embed, idx_c)
    rows_i = g_full(embed, idx_i)

    sig2d = sigma.reshape(1, 2)
    zero = jnp.zeros((1, 1), jnp.float32)
    loss_c = _make_tail(0, B, D, nj, 1, CB)(
        sig2d, zero, rows_c, rows_c, rows_c)
    total = _make_tail(1, B, D, nj, 1, CB)(
        sig2d, loss_c, rows_i, rows_i, rows_i)
    return total.reshape(())

# --- scband reference (transcript-rebuilt; emitter-appended) ---
"""Pipeline reference for scband-contrastive-model-47760036331945 (READ-ONLY COPY).

The authoritative reference and input builder live on the scoring server;
editing this copy changes nothing except your own understanding.
"""

import jax, jax.numpy as jnp
import numpy as np

N_NODES = 100000
D = 128
B = 2048
K = 10


def setup_inputs(seed: int = 0) -> dict:
    key = jax.random.key(seed)
    ks = jax.random.split(key, 8)
    embed = jax.random.normal(ks[0], (N_NODES, D), dtype=jnp.float32)
    sigma = jnp.ones((2,), dtype=jnp.float32)
    anchor_class = jax.random.randint(ks[1], (B,), 0, N_NODES, dtype=jnp.int64 if jax.config.jax_enable_x64 else jnp.int32).astype(jnp.int32)
    pos_class = jax.random.randint(ks[2], (B,), 0, N_NODES).astype(jnp.int32)
    neg_class = jax.random.randint(ks[3], (B * K,), 0, N_NODES).astype(jnp.int32)
    anchor_ingred = jax.random.randint(ks[4], (B,), 0, N_NODES).astype(jnp.int32)
    pos_ingred = jax.random.randint(ks[5], (B,), 0, N_NODES).astype(jnp.int32)
    neg_ingred = jax.random.randint(ks[6], (B * K,), 0, N_NODES).astype(jnp.int32)
    return {
        "embed": embed,
        "sigma": sigma,
        "anchor_class": anchor_class,
        "pos_class": pos_class,
        "neg_class": neg_class,
        "anchor_ingred": anchor_ingred,
        "pos_ingred": pos_ingred,
        "neg_ingred": neg_ingred,
    }


def _normalize(x, eps=1e-12):
    # F.normalize(x, dim=1): x / max(||x||_2, eps)
    n = jnp.sqrt(jnp.sum(x * x, axis=1, keepdims=True))
    return x / jnp.maximum(n, eps)


def _nt_xent(anchor_embeds, positive_embeds, negative_embeds, temperature=0.5):
    a = _normalize(anchor_embeds)
    p = _normalize(positive_embeds)
    n = _normalize(negative_embeds)
    pos_sim = jnp.sum(a * p, axis=1) / temperature  # [B]
    pos_sim = pos_sim[:, None]                      # [B, 1]
    neg_sim = jnp.matmul(a, n.T) / temperature      # [B, B*K]
    all_sim = jnp.concatenate([pos_sim, neg_sim], axis=1)
    # cross_entropy with labels == 0 (mean reduction)
    lse = jax.nn.logsumexp(all_sim, axis=1)
    loss = jnp.mean(lse - all_sim[:, 0])
    return loss


def reference(embed, sigma, anchor_class, pos_class, neg_class,
              anchor_ingred, pos_ingred, neg_ingred):
    # class_nt_xent with precomputed negative indices (sampling done offline)
    class_loss = _nt_xent(
        jnp.take(embed, anchor_class, axis=0),
        jnp.take(embed, pos_class, axis=0),
        jnp.take(embed, neg_class, axis=0),
    )
    ingred_loss = _nt_xent(
        jnp.take(embed, anchor_ingred, axis=0),
        jnp.take(embed, pos_ingred, axis=0),
        jnp.take(embed, neg_ingred, axis=0),
    )
    sigma1 = sigma[0]
    sigma2 = sigma[1]
    total_loss = (1.0 / (2.0 * sigma1 ** 2)) * class_loss + jnp.log(sigma1)
    total_loss = total_loss + (1.0 / (2.0 * sigma2 ** 2)) * ingred_loss + jnp.log(sigma2)
    return total_loss

if __name__ == "__main__":
    import jax
    _d = setup_inputs()
    print(jax.jit(kernel)(*tuple(_d.values())))

</pallas_src>

<mosaic_0001>
#map = affine_map<(d0, d1) -> (0, 0)>
#map1 = affine_map<(d0, d1) -> (0, 0, 0)>
module attributes {stable_mosaic.version = 14 : i64} {
  func.func @gather_k(%arg0: i32, %arg1: i32, %arg2: memref<100000x128xf32, #tpu.memory_space<hbm>>, %arg3: memref<32x6x128xi32, #tpu.memory_space<hbm>>, %arg4: memref<24576x128xf32, #tpu.memory_space<hbm>>, %arg5: memref<6x128xi32, #tpu.memory_space<vmem>>, %arg6: memref<128x128xf32, #tpu.memory_space<vmem>>, %arg7: memref<128x128xf32, #tpu.memory_space<vmem>>, %arg8: memref<!tpu.dma_semaphore, #tpu.memory_space<semaphore_mem>>, %arg9: memref<!tpu.dma_semaphore, #tpu.memory_space<semaphore_mem>>) attributes {dimension_semantics = [#tpu.dimension_semantics<core_parallel>, #tpu.dimension_semantics<subcore_parallel>], iteration_bounds = array<i64: 2, 16>, scalar_prefetch = 0 : i64, scratch_operands = 5 : i64, tpu.core_type = #tpu.core_type<sc_vector_subcore>, window_params = [{transform_indices = #map}, {transform_indices = #map1}, {transform_indices = #map}]} {
    %mul3A = arith.constant 2 : i32
    %mul3A_0 = arith.muli %arg1, %mul3A : i32
    %add3A = arith.addi %mul3A_0, %arg0 : i32
    %mul3A_1 = arith.constant 768 : i32
    %mul3A_2 = arith.muli %add3A, %mul3A_1 : i32
    "tpu.region"() ({
      %run_scoped3A = tpu.sem_alloc : memref<!tpu.dma_semaphore, #tpu.memory_space<semaphore_mem>>
      %dma_start3A_97 = arith.constant 0 : i32
      %dma_start3A_98 = arith.constant 0 : i32
      %dma_start3A_99 = tpu.memref_slice %arg3[%add3A, %dma_start3A_97, %dma_start3A_98] : memref<32x6x128xi32, #tpu.memory_space<hbm>> -> memref<1x6x128xi32, #tpu.memory_space<hbm>>
      %dma_start3A_100 = tpu.memref_squeeze %dma_start3A_99 : memref<1x6x128xi32, #tpu.memory_space<hbm>> -> memref<6x128xi32, #tpu.memory_space<hbm>>
      %dma_start3A_101 = arith.constant 0 : i32
      %dma_start3A_102 = arith.constant 0 : i32
      %dma_start3A_103 = tpu.memref_slice %arg3[%add3A, %dma_start3A_101, %dma_start3A_102] : memref<32x6x128xi32, #tpu.memory_space<hbm>> -> memref<1x6x128xi32, #tpu.memory_space<hbm>>
      %dma_start3A_104 = tpu.memref_squeeze %dma_start3A_103 : memref<1x6x128xi32, #tpu.memory_space<hbm>> -> memref<6x128xi32, #tpu.memory_space<hbm>>
      tpu.enqueue_dma source(%dma_start3A_104 : memref<6x128xi32, #tpu.memory_space<hbm>>) target(%arg5 : memref<6x128xi32, #tpu.memory_space<vmem>>) target_semaphore(%run_scoped3A : memref<!tpu.dma_semaphore, #tpu.memory_space<semaphore_mem>>)
      %dma_wait3A_105 = arith.constant 0 : i32
      %dma_wait3A_106 = arith.constant 0 : i32
      %dma_wait3A_107 = tpu.memref_slice %arg3[%add3A, %dma_wait3A_105, %dma_wait3A_106] : memref<32x6x128xi32, #tpu.memory_space<hbm>> -> memref<1x6x128xi32, #tpu.memory_space<hbm>>
      %dma_wait3A_108 = tpu.memref_squeeze %dma_wait3A_107 : memref<1x6x128xi32, #tpu.memory_space<hbm>> -> memref<6x128xi32, #tpu.memory_space<hbm>>
      %dma_wait3A_109 = arith.constant 0 : i32
      %dma_wait3A_110 = arith.constant 0 : i32
      %dma_wait3A_111 = tpu.memref_slice %arg3[%add3A, %dma_wait3A_109, %dma_wait3A_110] : memref<32x6x128xi32, #tpu.memory_space<hbm>> -> memref<1x6x128xi32, #tpu.memory_space<hbm>>
      %dma_wait3A_112 = tpu.memref_squeeze %dma_wait3A_111 : memref<1x6x128xi32, #tpu.memory_space<hbm>> -> memref<6x128xi32, #tpu.memory_space<hbm>>
      tpu.wait_dma2 semaphore(%run_scoped3A : memref<!tpu.dma_semaphore, #tpu.memory_space<semaphore_mem>>) src(%dma_wait3A_112 : memref<6x128xi32, #tpu.memory_space<hbm>>) dst(%arg5 : memref<6x128xi32, #tpu.memory_space<vmem>>)
      tpu.yield
    }) : () -> ()
    %dma_start3A = arith.constant 0 : i32
    %dma_start3A_3 = arith.constant 0 : i32
    %dma_start3A_4 = tpu.memref_slice %arg5[%dma_start3A, %dma_start3A_3] : memref<6x128xi32, #tpu.memory_space<vmem>> -> memref<1x128xi32, #tpu.memory_space<vmem>>
    %dma_start3A_5 = tpu.memref_squeeze %dma_start3A_4 : memref<1x128xi32, #tpu.memory_space<vmem>> -> memref<128xi32, #tpu.memory_space<vmem>>
    %dma_start3A_6 = arith.constant 0 : i32
    %dma_start3A_7 = arith.constant 0 : i32
    %dma_start3A_8 = tpu.memref_slice %arg2[%dma_start3A_6, %dma_start3A_7] : memref<100000x128xf32, #tpu.memory_space<hbm>> -> memref<100000x128xf32, #tpu.memory_space<hbm>>
    tpu.enqueue_indirect_dma source(%dma_start3A_8 : memref<100000x128xf32, #tpu.memory_space<hbm>>) target(%arg6 : memref<128x128xf32, #tpu.memory_space<vmem>>) offsets(%dma_start3A_5 : memref<128xi32, #tpu.memory_space<vmem>>) semaphore(%arg8 : memref<!tpu.dma_semaphore, #tpu.memory_space<semaphore_mem>>)
    %dma_start3A_9 = arith.constant 1 : i32
    %dma_start3A_10 = arith.constant 0 : i32
    %dma_start3A_11 = tpu.memref_slice %arg5[%dma_start3A_9, %dma_start3A_10] : memref<6x128xi32, #tpu.memory_space<vmem>> -> memref<1x128xi32, #tpu.memory_space<vmem>>
    %dma_start3A_12 = tpu.memref_squeeze %dma_start3A_11 : memref<1x128xi32, #tpu.memory_space<vmem>> -> memref<128xi32, #tpu.memory_space<vmem>>
    %dma_start3A_13 = arith.constant 0 : i32
    %dma_start3A_14 = arith.constant 0 : i32
    %dma_start3A_15 = tpu.memref_slice %arg2[%dma_start3A_13, %dma_start3A_14] : memref<100000x128xf32, #tpu.memory_space<hbm>> -> memref<100000x128xf32, #tpu.memory_space<hbm>>
    tpu.enqueue_indirect_dma source(%dma_start3A_15 : memref<100000x128xf32, #tpu.memory_space<hbm>>) target(%arg7 : memref<128x128xf32, #tpu.memory_space<vmem>>) offsets(%dma_start3A_12 : memref<128xi32, #tpu.memory_space<vmem>>) semaphore(%arg9 : memref<!tpu.dma_semaphore, #tpu.memory_space<semaphore_mem>>)
    %dma_wait3A = arith.constant 0 : i32
    %dma_wait3A_16 = arith.constant 0 : i32
    %dma_wait3A_17 = tpu.memref_slice %arg5[%dma_wait3A, %dma_wait3A_16] : memref<6x128xi32, #tpu.memory_space<vmem>> -> memref<1x128xi32, #tpu.memory_space<vmem>>
    %dma_wait3A_18 = tpu.memref_squeeze %dma_wait3A_17 : memref<1x128xi32, #tpu.memory_space<vmem>> -> memref<128xi32, #tpu.memory_space<vmem>>
    %dma_wait3A_19 = arith.constant 0 : i32
    %dma_wait3A_20 = arith.constant 0 : i32
    %dma_wait3A_21 = tpu.memref_slice %arg2[%dma_wait3A_19, %dma_wait3A_20] : memref<100000x128xf32, #tpu.memory_space<hbm>> -> memref<100000x128xf32, #tpu.memory_space<hbm>>
    tpu.wait_indirect_dma semaphore(%arg8 : memref<!tpu.dma_semaphore, #tpu.memory_space<semaphore_mem>>) src(%dma_wait3A_21 : memref<100000x128xf32, #tpu.memory_space<hbm>>) dst(%arg6 : memref<128x128xf32, #tpu.memory_space<vmem>>)
    %add3A_22 = arith.constant 0 : i32
    %add3A_23 = arith.addi %mul3A_2, %add3A_22 : i32
    "tpu.region"() ({
      %run_scoped3A = tpu.sem_alloc : memref<!tpu.dma_semaphore, #tpu.memory_space<semaphore_mem>>
      %dma_start3A_97 = arith.constant 0 : i32
      %dma_start3A_98 = tpu.memref_slice %arg4[%add3A_23, %dma_start3A_97] : memref<24576x128xf32, #tpu.memory_space<hbm>> -> memref<128x128xf32, #tpu.memory_space<hbm>>
      %dma_start3A_99 = arith.constant 0 : i32
      %dma_start3A_100 = tpu.memref_slice %arg4[%add3A_23, %dma_start3A_99] : memref<24576x128xf32, #tpu.memory_space<hbm>> -> memref<128x128xf32, #tpu.memory_space<hbm>>
      tpu.enqueue_dma source(%arg6 : memref<128x128xf32, #tpu.memory_space<vmem>>) target(%dma_start3A_100 : memref<128x128xf32, #tpu.memory_space<hbm>>) target_semaphore(%run_scoped3A : memref<!tpu.dma_semaphore, #tpu.memory_space<semaphore_mem>>)
      %dma_wait3A_101 = arith.constant 0 : i32
      %dma_wait3A_102 = tpu.memref_slice %arg4[%add3A_23, %dma_wait3A_101] : memref<24576x128xf32, #tpu.memory_space<hbm>> -> memref<128x128xf32, #tpu.memory_space<hbm>>
      %dma_wait3A_103 = arith.constant 0 : i32
      %dma_wait3A_104 = tpu.memref_slice %arg4[%add3A_23, %dma_wait3A_103] : memref<24576x128xf32, #tpu.memory_space<hbm>> -> memref<128x128xf32, #tpu.memory_space<hbm>>
      tpu.wait_dma2 semaphore(%run_scoped3A : memref<!tpu.dma_semaphore, #tpu.memory_space<semaphore_mem>>) src(%arg6 : memref<128x128xf32, #tpu.memory_space<vmem>>) dst(%dma_wait3A_104 : memref<128x128xf32, #tpu.memory_space<hbm>>)
      tpu.yield
    }) : () -> ()
    %dma_start3A_24 = arith.constant 2 : i32
    %dma_start3A_25 = arith.constant 0 : i32
    %dma_start3A_26 = tpu.memref_slice %arg5[%dma_start3A_24, %dma_start3A_25] : memref<6x128xi32, #tpu.memory_space<vmem>> -> memref<1x128xi32, #tpu.memory_space<vmem>>
    %dma_start3A_27 = tpu.memref_squeeze %dma_start3A_26 : memref<1x128xi32, #tpu.memory_space<vmem>> -> memref<128xi32, #tpu.memory_space<vmem>>
    %dma_start3A_28 = arith.constant 0 : i32
    %dma_start3A_29 = arith.constant 0 : i32
    %dma_start3A_30 = tpu.memref_slice %arg2[%dma_start3A_28, %dma_start3A_29] : memref<100000x128xf32, #tpu.memory_space<hbm>> -> memref<100000x128xf32, #tpu.memory_space<hbm>>
    tpu.enqueue_indirect_dma source(%dma_start3A_30 : memref<100000x128xf32, #tpu.memory_space<hbm>>) target(%arg6 : memref<128x128xf32, #tpu.memory_space<vmem>>) offsets(%dma_start3A_27 : memref<128xi32, #tpu.memory_space<vmem>>) semaphore(%arg8 : memref<!tpu.dma_semaphore, #tpu.memory_space<semaphore_mem>>)
    %dma_wait3A_31 = arith.constant 1 : i32
    %dma_wait3A_32 = arith.constant 0 : i32
    %dma_wait3A_33 = tpu.memref_slice %arg5[%dma_wait3A_31, %dma_wait3A_32] : memref<6x128xi32, #tpu.memory_space<vmem>> -> memref<1x128xi32, #tpu.memory_space<vmem>>
    %dma_wait3A_34 = tpu.memref_squeeze %dma_wait3A_33 : memref<1x128xi32, #tpu.memory_space<vmem>> -> memref<128xi32, #tpu.memory_space<vmem>>
    %dma_wait3A_35 = arith.constant 0 : i32
    %dma_wait3A_36 = arith.constant 0 : i32
    %dma_wait3A_37 = tpu.memref_slice %arg2[%dma_wait3A_35, %dma_wait3A_36] : memref<100000x128xf32, #tpu.memory_space<hbm>> -> memref<100000x128xf32, #tpu.memory_space<hbm>>
    tpu.wait_indirect_dma semaphore(%arg9 : memref<!tpu.dma_semaphore, #tpu.memory_space<semaphore_mem>>) src(%dma_wait3A_37 : memref<100000x128xf32, #tpu.memory_space<hbm>>) dst(%arg7 : memref<128x128xf32, #tpu.memory_space<vmem>>)
    %add3A_38 = arith.constant 128 : i32
    %add3A_39 = arith.addi %mul3A_2, %add3A_38 : i32
    "tpu.region"() ({
      %run_scoped3A = tpu.sem_alloc : memref<!tpu.dma_semaphore, #tpu.memory_space<semaphore_mem>>
      %dma_start3A_97 = arith.constant 0 : i32
      %dma_start3A_98 = tpu.memref_slice %arg4[%add3A_39, %dma_start3A_97] : memref<24576x128xf32, #tpu.memory_space<hbm>> -> memref<128x128xf32, #tpu.memory_space<hbm>>
      %dma_start3A_99 = arith.constant 0 : i32
      %dma_start3A_100 = tpu.memref_slice %arg4[%add3A_39, %dma_start3A_99] : memref<24576x128xf32, #tpu.memory_space<hbm>> -> memref<128x128xf32, #tpu.memory_space<hbm>>
      tpu.enqueue_dma source(%arg7 : memref<128x128xf32, #tpu.memory_space<vmem>>) target(%dma_start3A_100 : memref<128x128xf32, #tpu.memory_space<hbm>>) target_semaphore(%run_scoped3A : memref<!tpu.dma_semaphore, #tpu.memory_space<semaphore_mem>>)
      %dma_wait3A_101 = arith.constant 0 : i32
      %dma_wait3A_102 = tpu.memref_slice %arg4[%add3A_39, %dma_wait3A_101] : memref<24576x128xf32, #tpu.memory_space<hbm>> -> memref<128x128xf32, #tpu.memory_space<hbm>>
      %dma_wait3A_103 = arith.constant 0 : i32
      %dma_wait3A_104 = tpu.memref_slice %arg4[%add3A_39, %dma_wait3A_103] : memref<24576x128xf32, #tpu.memory_space<hbm>> -> memref<128x128xf32, #tpu.memory_space<hbm>>
      tpu.wait_dma2 semaphore(%run_scoped3A : memref<!tpu.dma_semaphore, #tpu.memory_space<semaphore_mem>>) src(%arg7 : memref<128x128xf32, #tpu.memory_space<vmem>>) dst(%dma_wait3A_104 : memref<128x128xf32, #tpu.memory_space<hbm>>)
      tpu.yield
    }) : () -> ()
    %dma_start3A_40 = arith.constant 3 : i32
    %dma_start3A_41 = arith.constant 0 : i32
    %dma_start3A_42 = tpu.memref_slice %arg5[%dma_start3A_40, %dma_start3A_41] : memref<6x128xi32, #tpu.memory_space<vmem>> -> memref<1x128xi32, #tpu.memory_space<vmem>>
    %dma_start3A_43 = tpu.memref_squeeze %dma_start3A_42 : memref<1x128xi32, #tpu.memory_space<vmem>> -> memref<128xi32, #tpu.memory_space<vmem>>
    %dma_start3A_44 = arith.constant 0 : i32
    %dma_start3A_45 = arith.constant 0 : i32
    %dma_start3A_46 = tpu.memref_slice %arg2[%dma_start3A_44, %dma_start3A_45] : memref<100000x128xf32, #tpu.memory_space<hbm>> -> memref<100000x128xf32, #tpu.memory_space<hbm>>
    tpu.enqueue_indirect_dma source(%dma_start3A_46 : memref<100000x128xf32, #tpu.memory_space<hbm>>) target(%arg7 : memref<128x128xf32, #tpu.memory_space<vmem>>) offsets(%dma_start3A_43 : memref<128xi32, #tpu.memory_space<vmem>>) semaphore(%arg9 : memref<!tpu.dma_semaphore, #tpu.memory_space<semaphore_mem>>)
    %dma_wait3A_47 = arith.constant 2 : i32
    %dma_wait3A_48 = arith.constant 0 : i32
    %dma_wait3A_49 = tpu.memref_slice %arg5[%dma_wait3A_47, %dma_wait3A_48] : memref<6x128xi32, #tpu.memory_space<vmem>> -> memref<1x128xi32, #tpu.memory_space<vmem>>
    %dma_wait3A_50 = tpu.memref_squeeze %dma_wait3A_49 : memref<1x128xi32, #tpu.memory_space<vmem>> -> memref<128xi32, #tpu.memory_space<vmem>>
    %dma_wait3A_51 = arith.constant 0 : i32
    %dma_wait3A_52 = arith.constant 0 : i32
    %dma_wait3A_53 = tpu.memref_slice %arg2[%dma_wait3A_51, %dma_wait3A_52] : memref<100000x128xf32, #tpu.memory_space<hbm>> -> memref<100000x128xf32, #tpu.memory_space<hbm>>
    tpu.wait_indirect_dma semaphore(%arg8 : memref<!tpu.dma_semaphore, #tpu.memory_space<semaphore_mem>>) src(%dma_wait3A_53 : memref<100000x128xf32, #tpu.memory_space<hbm>>) dst(%arg6 : memref<128x128xf32, #tpu.memory_space<vmem>>)
    %add3A_54 = arith.constant 256 : i32
    %add3A_55 = arith.addi %mul3A_2, %add3A_54 : i32
    "tpu.region"() ({
      %run_scoped3A = tpu.sem_alloc : memref<!tpu.dma_semaphore, #tpu.memory_space<semaphore_mem>>
      %dma_start3A_97 = arith.constant 0 : i32
      %dma_start3A_98 = tpu.memref_slice %arg4[%add3A_55, %dma_start3A_97] : memref<24576x128xf32, #tpu.memory_space<hbm>> -> memref<128x128xf32, #tpu.memory_space<hbm>>
      %dma_start3A_99 = arith.constant 0 : i32
      %dma_start3A_100 = tpu.memref_slice %arg4[%add3A_55, %dma_start3A_99] : memref<24576x128xf32, #tpu.memory_space<hbm>> -> memref<128x128xf32, #tpu.memory_space<hbm>>
      tpu.enqueue_dma source(%arg6 : memref<128x128xf32, #tpu.memory_space<vmem>>) target(%dma_start3A_100 : memref<128x128xf32, #tpu.memory_space<hbm>>) target_semaphore(%run_scoped3A : memref<!tpu.dma_semaphore, #tpu.memory_space<semaphore_mem>>)
      %dma_wait3A_101 = arith.constant 0 : i32
      %dma_wait3A_102 = tpu.memref_slice %arg4[%add3A_55, %dma_wait3A_101] : memref<24576x128xf32, #tpu.memory_space<hbm>> -> memref<128x128xf32, #tpu.memory_space<hbm>>
      %dma_wait3A_103 = arith.constant 0 : i32
      %dma_wait3A_104 = tpu.memref_slice %arg4[%add3A_55, %dma_wait3A_103] : memref<24576x128xf32, #tpu.memory_space<hbm>> -> memref<128x128xf32, #tpu.memory_space<hbm>>
      tpu.wait_dma2 semaphore(%run_scoped3A : memref<!tpu.dma_semaphore, #tpu.memory_space<semaphore_mem>>) src(%arg6 : memref<128x128xf32, #tpu.memory_space<vmem>>) dst(%dma_wait3A_104 : memref<128x128xf32, #tpu.memory_space<hbm>>)
      tpu.yield
    }) : () -> ()
    %dma_start3A_56 = arith.constant 4 : i32
    %dma_start3A_57 = arith.constant 0 : i32
    %dma_start3A_58 = tpu.memref_slice %arg5[%dma_start3A_56, %dma_start3A_57] : memref<6x128xi32, #tpu.memory_space<vmem>> -> memref<1x128xi32, #tpu.memory_space<vmem>>
    %dma_start3A_59 = tpu.memref_squeeze %dma_start3A_58 : memref<1x128xi32, #tpu.memory_space<vmem>> -> memref<128xi32, #tpu.memory_space<vmem>>
    %dma_start3A_60 = arith.constant 0 : i32
    %dma_start3A_61 = arith.constant 0 : i32
    %dma_start3A_62 = tpu.memref_slice %arg2[%dma_start3A_60, %dma_start3A_61] : memref<100000x128xf32, #tpu.memory_space<hbm>> -> memref<100000x128xf32, #tpu.memory_space<hbm>>
    tpu.enqueue_indirect_dma source(%dma_start3A_62 : memref<100000x128xf32, #tpu.memory_space<hbm>>) target(%arg6 : memref<128x128xf32, #tpu.memory_space<vmem>>) offsets(%dma_start3A_59 : memref<128xi32, #tpu.memory_space<vmem>>) semaphore(%arg8 : memref<!tpu.dma_semaphore, #tpu.memory_space<semaphore_mem>>)
    %dma_wait3A_63 = arith.constant 3 : i32
    %dma_wait3A_64 = arith.constant 0 : i32
    %dma_wait3A_65 = tpu.memref_slice %arg5[%dma_wait3A_63, %dma_wait3A_64] : memref<6x128xi32, #tpu.memory_space<vmem>> -> memref<1x128xi32, #tpu.memory_space<vmem>>
    %dma_wait3A_66 = tpu.memref_squeeze %dma_wait3A_65 : memref<1x128xi32, #tpu.memory_space<vmem>> -> memref<128xi32, #tpu.memory_space<vmem>>
    %dma_wait3A_67 = arith.constant 0 : i32
    %dma_wait3A_68 = arith.constant 0 : i32
    %dma_wait3A_69 = tpu.memref_slice %arg2[%dma_wait3A_67, %dma_wait3A_68] : memref<100000x128xf32, #tpu.memory_space<hbm>> -> memref<100000x128xf32, #tpu.memory_space<hbm>>
    tpu.wait_indirect_dma semaphore(%arg9 : memref<!tpu.dma_semaphore, #tpu.memory_space<semaphore_mem>>) src(%dma_wait3A_69 : memref<100000x128xf32, #tpu.memory_space<hbm>>) dst(%arg7 : memref<128x128xf32, #tpu.memory_space<vmem>>)
    %add3A_70 = arith.constant 384 : i32
    %add3A_71 = arith.addi %mul3A_2, %add3A_70 : i32
    "tpu.region"() ({
      %run_scoped3A = tpu.sem_alloc : memref<!tpu.dma_semaphore, #tpu.memory_space<semaphore_mem>>
      %dma_start3A_97 = arith.constant 0 : i32
      %dma_start3A_98 = tpu.memref_slice %arg4[%add3A_71, %dma_start3A_97] : memref<24576x128xf32, #tpu.memory_space<hbm>> -> memref<128x128xf32, #tpu.memory_space<hbm>>
      %dma_start3A_99 = arith.constant 0 : i32
      %dma_start3A_100 = tpu.memref_slice %arg4[%add3A_71, %dma_start3A_99] : memref<24576x128xf32, #tpu.memory_space<hbm>> -> memref<128x128xf32, #tpu.memory_space<hbm>>
      tpu.enqueue_dma source(%arg7 : memref<128x128xf32, #tpu.memory_space<vmem>>) target(%dma_start3A_100 : memref<128x128xf32, #tpu.memory_space<hbm>>) target_semaphore(%run_scoped3A : memref<!tpu.dma_semaphore, #tpu.memory_space<semaphore_mem>>)
      %dma_wait3A_101 = arith.constant 0 : i32
      %dma_wait3A_102 = tpu.memref_slice %arg4[%add3A_71, %dma_wait3A_101] : memref<24576x128xf32, #tpu.memory_space<hbm>> -> memref<128x128xf32, #tpu.memory_space<hbm>>
      %dma_wait3A_103 = arith.constant 0 : i32
      %dma_wait3A_104 = tpu.memref_slice %arg4[%add3A_71, %dma_wait3A_103] : memref<24576x128xf32, #tpu.memory_space<hbm>> -> memref<128x128xf32, #tpu.memory_space<hbm>>
      tpu.wait_dma2 semaphore(%run_scoped3A : memref<!tpu.dma_semaphore, #tpu.memory_space<semaphore_mem>>) src(%arg7 : memref<128x128xf32, #tpu.memory_space<vmem>>) dst(%dma_wait3A_104 : memref<128x128xf32, #tpu.memory_space<hbm>>)
      tpu.yield
    }) : () -> ()
    %dma_start3A_72 = arith.constant 5 : i32
    %dma_start3A_73 = arith.constant 0 : i32
    %dma_start3A_74 = tpu.memref_slice %arg5[%dma_start3A_72, %dma_start3A_73] : memref<6x128xi32, #tpu.memory_space<vmem>> -> memref<1x128xi32, #tpu.memory_space<vmem>>
    %dma_start3A_75 = tpu.memref_squeeze %dma_start3A_74 : memref<1x128xi32, #tpu.memory_space<vmem>> -> memref<128xi32, #tpu.memory_space<vmem>>
    %dma_start3A_76 = arith.constant 0 : i32
    %dma_start3A_77 = arith.constant 0 : i32
    %dma_start3A_78 = tpu.memref_slice %arg2[%dma_start3A_76, %dma_start3A_77] : memref<100000x128xf32, #tpu.memory_space<hbm>> -> memref<100000x128xf32, #tpu.memory_space<hbm>>
    tpu.enqueue_indirect_dma source(%dma_start3A_78 : memref<100000x128xf32, #tpu.memory_space<hbm>>) target(%arg7 : memref<128x128xf32, #tpu.memory_space<vmem>>) offsets(%dma_start3A_75 : memref<128xi32, #tpu.memory_space<vmem>>) semaphore(%arg9 : memref<!tpu.dma_semaphore, #tpu.memory_space<semaphore_mem>>)
    %dma_wait3A_79 = arith.constant 4 : i32
    %dma_wait3A_80 = arith.constant 0 : i32
    %dma_wait3A_81 = tpu.memref_slice %arg5[%dma_wait3A_79, %dma_wait3A_80] : memref<6x128xi32, #tpu.memory_space<vmem>> -> memref<1x128xi32, #tpu.memory_space<vmem>>
    %dma_wait3A_82 = tpu.memref_squeeze %dma_wait3A_81 : memref<1x128xi32, #tpu.memory_space<vmem>> -> memref<128xi32, #tpu.memory_space<vmem>>
    %dma_wait3A_83 = arith.constant 0 : i32
    %dma_wait3A_84 = arith.constant 0 : i32
    %dma_wait3A_85 = tpu.memref_slice %arg2[%dma_wait3A_83, %dma_wait3A_84] : memref<100000x128xf32, #tpu.memory_space<hbm>> -> memref<100000x128xf32, #tpu.memory_space<hbm>>
    tpu.wait_indirect_dma semaphore(%arg8 : memref<!tpu.dma_semaphore, #tpu.memory_space<semaphore_mem>>) src(%dma_wait3A_85 : memref<100000x128xf32, #tpu.memory_space<hbm>>) dst(%arg6 : memref<128x128xf32, #tpu.memory_space<vmem>>)
    %add3A_86 = arith.constant 512 : i32
    %add3A_87 = arith.addi %mul3A_2, %add3A_86 : i32
    "tpu.region"() ({
      %run_scoped3A = tpu.sem_alloc : memref<!tpu.dma_semaphore, #tpu.memory_space<semaphore_mem>>
      %dma_start3A_97 = arith.constant 0 : i32
      %dma_start3A_98 = tpu.memref_slice %arg4[%add3A_87, %dma_start3A_97] : memref<24576x128xf32, #tpu.memory_space<hbm>> -> memref<128x128xf32, #tpu.memory_space<hbm>>
      %dma_start3A_99 = arith.constant 0 : i32
      %dma_start3A_100 = tpu.memref_slice %arg4[%add3A_87, %dma_start3A_99] : memref<24576x128xf32, #tpu.memory_space<hbm>> -> memref<128x128xf32, #tpu.memory_space<hbm>>
      tpu.enqueue_dma source(%arg6 : memref<128x128xf32, #tpu.memory_space<vmem>>) target(%dma_start3A_100 : memref<128x128xf32, #tpu.memory_space<hbm>>) target_semaphore(%run_scoped3A : memref<!tpu.dma_semaphore, #tpu.memory_space<semaphore_mem>>)
      %dma_wait3A_101 = arith.constant 0 : i32
      %dma_wait3A_102 = tpu.memref_slice %arg4[%add3A_87, %dma_wait3A_101] : memref<24576x128xf32, #tpu.memory_space<hbm>> -> memref<128x128xf32, #tpu.memory_space<hbm>>
      %dma_wait3A_103 = arith.constant 0 : i32
      %dma_wait3A_104 = tpu.memref_slice %arg4[%add3A_87, %dma_wait3A_103] : memref<24576x128xf32, #tpu.memory_space<hbm>> -> memref<128x128xf32, #tpu.memory_space<hbm>>
      tpu.wait_dma2 semaphore(%run_scoped3A : memref<!tpu.dma_semaphore, #tpu.memory_space<semaphore_mem>>) src(%arg6 : memref<128x128xf32, #tpu.memory_space<vmem>>) dst(%dma_wait3A_104 : memref<128x128xf32, #tpu.memory_space<hbm>>)
      tpu.yield
    }) : () -> ()
    %dma_wait3A_88 = arith.constant 5 : i32
    %dma_wait3A_89 = arith.constant 0 : i32
    %dma_wait3A_90 = tpu.memref_slice %arg5[%dma_wait3A_88, %dma_wait3A_89] : memref<6x128xi32, #tpu.memory_space<vmem>> -> memref<1x128xi32, #tpu.memory_space<vmem>>
    %dma_wait3A_91 = tpu.memref_squeeze %dma_wait3A_90 : memref<1x128xi32, #tpu.memory_space<vmem>> -> memref<128xi32, #tpu.memory_space<vmem>>
    %dma_wait3A_92 = arith.constant 0 : i32
    %dma_wait3A_93 = arith.constant 0 : i32
    %dma_wait3A_94 = tpu.memref_slice %arg2[%dma_wait3A_92, %dma_wait3A_93] : memref<100000x128xf32, #tpu.memory_space<hbm>> -> memref<100000x128xf32, #tpu.memory_space<hbm>>
    tpu.wait_indirect_dma semaphore(%arg9 : memref<!tpu.dma_semaphore, #tpu.memory_space<semaphore_mem>>) src(%dma_wait3A_94 : memref<100000x128xf32, #tpu.memory_space<hbm>>) dst(%arg7 : memref<128x128xf32, #tpu.memory_space<vmem>>)
    %add3A_95 = arith.constant 640 : i32
    %add3A_96 = arith.addi %mul3A_2, %add3A_95 : i32
    "tpu.region"() ({
      %run_scoped3A = tpu.sem_alloc : memref<!tpu.dma_semaphore, #tpu.memory_space<semaphore_mem>>
      %dma_start3A_97 = arith.constant 0 : i32
      %dma_start3A_98 = tpu.memref_slice %arg4[%add3A_96, %dma_start3A_97] : memref<24576x128xf32, #tpu.memory_space<hbm>> -> memref<128x128xf32, #tpu.memory_space<hbm>>
      %dma_start3A_99 = arith.constant 0 : i32
      %dma_start3A_100 = tpu.memref_slice %arg4[%add3A_96, %dma_start3A_99] : memref<24576x128xf32, #tpu.memory_space<hbm>> -> memref<128x128xf32, #tpu.memory_space<hbm>>
      tpu.enqueue_dma source(%arg7 : memref<128x128xf32, #tpu.memory_space<vmem>>) target(%dma_start3A_100 : memref<128x128xf32, #tpu.memory_space<hbm>>) target_semaphore(%run_scoped3A : memref<!tpu.dma_semaphore, #tpu.memory_space<semaphore_mem>>)
      %dma_wait3A_101 = arith.constant 0 : i32
      %dma_wait3A_102 = tpu.memref_slice %arg4[%add3A_96, %dma_wait3A_101] : memref<24576x128xf32, #tpu.memory_space<hbm>> -> memref<128x128xf32, #tpu.memory_space<hbm>>
      %dma_wait3A_103 = arith.constant 0 : i32
      %dma_wait3A_104 = tpu.memref_slice %arg4[%add3A_96, %dma_wait3A_103] : memref<24576x128xf32, #tpu.memory_space<hbm>> -> memref<128x128xf32, #tpu.memory_space<hbm>>
      tpu.wait_dma2 semaphore(%run_scoped3A : memref<!tpu.dma_semaphore, #tpu.memory_space<semaphore_mem>>) src(%arg7 : memref<128x128xf32, #tpu.memory_space<vmem>>) dst(%dma_wait3A_104 : memref<128x128xf32, #tpu.memory_space<hbm>>)
      tpu.yield
    }) : () -> ()
    return
  }
}

#map = affine_map<(d0, d1) -> (0, 0)>
#map1 = affine_map<(d0, d1) -> (0, 0, 0)>
module attributes {stable_mosaic.version = 14 : i64} {
  func.func @gather_k(%arg0: i32, %arg1: i32, %arg2: memref<100000x128xf32, #tpu.memory_space<hbm>>, %arg3: memref<32x6x128xi32, #tpu.memory_space<hbm>>, %arg4: memref<24576x128xf32, #tpu.memory_space<hbm>>, %arg5: memref<6x128xi32, #tpu.memory_space<vmem>>, %arg6: memref<128x128xf32, #tpu.memory_space<vmem>>, %arg7: memref<128x128xf32, #tpu.memory_space<vmem>>, %arg8: memref<!tpu.dma_semaphore, #tpu.memory_space<semaphore_mem>>, %arg9: memref<!tpu.dma_semaphore, #tpu.memory_space<semaphore_mem>>) attributes {dimension_semantics = [#tpu.dimension_semantics<core_parallel>, #tpu.dimension_semantics<subcore_parallel>], iteration_bounds = array<i64: 2, 16>, scalar_prefetch = 0 : i64, scratch_operands = 5 : i64, tpu.core_type = #tpu.core_type<sc_vector_subcore>, window_params = [{transform_indices = #map}, {transform_indices = #map1}, {transform_indices = #map}]} {
    %mul3A = arith.constant 2 : i32
    %mul3A_0 = arith.muli %arg1, %mul3A : i32
    %add3A = arith.addi %mul3A_0, %arg0 : i32
    %mul3A_1 = arith.constant 768 : i32
    %mul3A_2 = arith.muli %add3A, %mul3A_1 : i32
    "tpu.region"() ({
      %run_scoped3A = tpu.sem_alloc : memref<!tpu.dma_semaphore, #tpu.memory_space<semaphore_mem>>
      %dma_start3A_97 = arith.constant 0 : i32
      %dma_start3A_98 = arith.constant 0 : i32
      %dma_start3A_99 = tpu.memref_slice %arg3[%add3A, %dma_start3A_97, %dma_start3A_98] : memref<32x6x128xi32, #tpu.memory_space<hbm>> -> memref<1x6x128xi32, #tpu.memory_space<hbm>>
      %dma_start3A_100 = tpu.memref_squeeze %dma_start3A_99 : memref<1x6x128xi32, #tpu.memory_space<hbm>> -> memref<6x128xi32, #tpu.memory_space<hbm>>
      %dma_start3A_101 = arith.constant 0 : i32
      %dma_start3A_102 = arith.constant 0 : i32
      %dma_start3A_103 = tpu.memref_slice %arg3[%add3A, %dma_start3A_101, %dma_start3A_102] : memref<32x6x128xi32, #tpu.memory_space<hbm>> -> memref<1x6x128xi32, #tpu.memory_space<hbm>>
      %dma_start3A_104 = tpu.memref_squeeze %dma_start3A_103 : memref<1x6x128xi32, #tpu.memory_space<hbm>> -> memref<6x128xi32, #tpu.memory_space<hbm>>
      tpu.enqueue_dma source(%dma_start3A_104 : memref<6x128xi32, #tpu.memory_space<hbm>>) target(%arg5 : memref<6x128xi32, #tpu.memory_space<vmem>>) target_semaphore(%run_scoped3A : memref<!tpu.dma_semaphore, #tpu.memory_space<semaphore_mem>>)
      %dma_wait3A_105 = arith.constant 0 : i32
      %dma_wait3A_106 = arith.constant 0 : i32
      %dma_wait3A_107 = tpu.memref_slice %arg3[%add3A, %dma_wait3A_105, %dma_wait3A_106] : memref<32x6x128xi32, #tpu.memory_space<hbm>> -> memref<1x6x128xi32, #tpu.memory_space<hbm>>
      %dma_wait3A_108 = tpu.memref_squeeze %dma_wait3A_107 : memref<1x6x128xi32, #tpu.memory_space<hbm>> -> memref<6x128xi32, #tpu.memory_space<hbm>>
      %dma_wait3A_109 = arith.constant 0 : i32
      %dma_wait3A_110 = arith.constant 0 : i32
      %dma_wait3A_111 = tpu.memref_slice %arg3[%add3A, %dma_wait3A_109, %dma_wait3A_110] : memref<32x6x128xi32, #tpu.memory_space<hbm>> -> memref<1x6x128xi32, #tpu.memory_space<hbm>>
      %dma_wait3A_112 = tpu.memref_squeeze %dma_wait3A_111 : memref<1x6x128xi32, #tpu.memory_space<hbm>> -> memref<6x128xi32, #tpu.memory_space<hbm>>
      tpu.wait_dma2 semaphore(%run_scoped3A : memref<!tpu.dma_semaphore, #tpu.memory_space<semaphore_mem>>) src(%dma_wait3A_112 : memref<6x128xi32, #tpu.memory_space<hbm>>) dst(%arg5 : memref<6x128xi32, #tpu.memory_space<vmem>>)
      tpu.yield
    }) : () -> ()
    %dma_start3A = arith.constant 0 : i32
    %dma_start3A_3 = arith.constant 0 : i32
    %dma_start3A_4 = tpu.memref_slice %arg5[%dma_start3A, %dma_start3A_3] : memref<6x128xi32, #tpu.memory_space<vmem>> -> memref<1x128xi32, #tpu.memory_space<vmem>>
    %dma_start3A_5 = tpu.memref_squeeze %dma_start3A_4 : memref<1x128xi32, #tpu.memory_space<vmem>> -> memref<128xi32, #tpu.memory_space<vmem>>
    %dma_start3A_6 = arith.constant 0 : i32
    %dma_start3A_7 = arith.constant 0 : i32
    %dma_start3A_8 = tpu.memref_slice %arg2[%dma_start3A_6, %dma_start3A_7] : memref<100000x128xf32, #tpu.memory_space<hbm>> -> memref<100000x128xf32, #tpu.memory_space<hbm>>
    tpu.enqueue_indirect_dma source(%dma_start3A_8 : memref<100000x128xf32, #tpu.memory_space<hbm>>) target(%arg6 : memref<128x128xf32, #tpu.memory_space<vmem>>) offsets(%dma_start3A_5 : memref<128xi32, #tpu.memory_space<vmem>>) semaphore(%arg8 : memref<!tpu.dma_semaphore, #tpu.memory_space<semaphore_mem>>)
    %dma_start3A_9 = arith.constant 1 : i32
    %dma_start3A_10 = arith.constant 0 : i32
    %dma_start3A_11 = tpu.memref_slice %arg5[%dma_start3A_9, %dma_start3A_10] : memref<6x128xi32, #tpu.memory_space<vmem>> -> memref<1x128xi32, #tpu.memory_space<vmem>>
    %dma_start3A_12 = tpu.memref_squeeze %dma_start3A_11 : memref<1x128xi32, #tpu.memory_space<vmem>> -> memref<128xi32, #tpu.memory_space<vmem>>
    %dma_start3A_13 = arith.constant 0 : i32
    %dma_start3A_14 = arith.constant 0 : i32
    %dma_start3A_15 = tpu.memref_slice %arg2[%dma_start3A_13, %dma_start3A_14] : memref<100000x128xf32, #tpu.memory_space<hbm>> -> memref<100000x128xf32, #tpu.memory_space<hbm>>
    tpu.enqueue_indirect_dma source(%dma_start3A_15 : memref<100000x128xf32, #tpu.memory_space<hbm>>) target(%arg7 : memref<128x128xf32, #tpu.memory_space<vmem>>) offsets(%dma_start3A_12 : memref<128xi32, #tpu.memory_space<vmem>>) semaphore(%arg9 : memref<!tpu.dma_semaphore, #tpu.memory_space<semaphore_mem>>)
    %dma_wait3A = arith.constant 0 : i32
    %dma_wait3A_16 = arith.constant 0 : i32
    %dma_wait3A_17 = tpu.memref_slice %arg5[%dma_wait3A, %dma_wait3A_16] : memref<6x128xi32, #tpu.memory_space<vmem>> -> memref<1x128xi32, #tpu.memory_space<vmem>>
    %dma_wait3A_18 = tpu.memref_squeeze %dma_wait3A_17 : memref<1x128xi32, #tpu.memory_space<vmem>> -> memref<128xi32, #tpu.memory_space<vmem>>
    %dma_wait3A_19 = arith.constant 0 : i32
    %dma_wait3A_20 = arith.constant 0 : i32
    %dma_wait3A_21 = tpu.memref_slice %arg2[%dma_wait3A_19, %dma_wait3A_20] : memref<100000x128xf32, #tpu.memory_space<hbm>> -> memref<100000x128xf32, #tpu.memory_space<hbm>>
    tpu.wait_indirect_dma semaphore(%arg8 : memref<!tpu.dma_semaphore, #tpu.memory_space<semaphore_mem>>) src(%dma_wait3A_21 : memref<100000x128xf32, #tpu.memory_space<hbm>>) dst(%arg6 : memref<128x128xf32, #tpu.memory_space<vmem>>)
    %add3A_22 = arith.constant 0 : i32
    %add3A_23 = arith.addi %mul3A_2, %add3A_22 : i32
    "tpu.region"() ({
      %run_scoped3A = tpu.sem_alloc : memref<!tpu.dma_semaphore, #tpu.memory_space<semaphore_mem>>
      %dma_start3A_97 = arith.constant 0 : i32
      %dma_start3A_98 = tpu.memref_slice %arg4[%add3A_23, %dma_start3A_97] : memref<24576x128xf32, #tpu.memory_space<hbm>> -> memref<128x128xf32, #tpu.memory_space<hbm>>
      %dma_start3A_99 = arith.constant 0 : i32
      %dma_start3A_100 = tpu.memref_slice %arg4[%add3A_23, %dma_start3A_99] : memref<24576x128xf32, #tpu.memory_space<hbm>> -> memref<128x128xf32, #tpu.memory_space<hbm>>
      tpu.enqueue_dma source(%arg6 : memref<128x128xf32, #tpu.memory_space<vmem>>) target(%dma_start3A_100 : memref<128x128xf32, #tpu.memory_space<hbm>>) target_semaphore(%run_scoped3A : memref<!tpu.dma_semaphore, #tpu.memory_space<semaphore_mem>>)
      %dma_wait3A_101 = arith.constant 0 : i32
      %dma_wait3A_102 = tpu.memref_slice %arg4[%add3A_23, %dma_wait3A_101] : memref<24576x128xf32, #tpu.memory_space<hbm>> -> memref<128x128xf32, #tpu.memory_space<hbm>>
      %dma_wait3A_103 = arith.constant 0 : i32
      %dma_wait3A_104 = tpu.memref_slice %arg4[%add3A_23, %dma_wait3A_103] : memref<24576x128xf32, #tpu.memory_space<hbm>> -> memref<128x128xf32, #tpu.memory_space<hbm>>
      tpu.wait_dma2 semaphore(%run_scoped3A : memref<!tpu.dma_semaphore, #tpu.memory_space<semaphore_mem>>) src(%arg6 : memref<128x128xf32, #tpu.memory_space<vmem>>) dst(%dma_wait3A_104 : memref<128x128xf32, #tpu.memory_space<hbm>>)
      tpu.yield
    }) : () -> ()
    %dma_start3A_24 = arith.constant 2 : i32
    %dma_start3A_25 = arith.constant 0 : i32
    %dma_start3A_26 = tpu.memref_slice %arg5[%dma_start3A_24, %dma_start3A_25] : memref<6x128xi32, #tpu.memory_space<vmem>> -> memref<1x128xi32, #tpu.memory_space<vmem>>
    %dma_start3A_27 = tpu.memref_squeeze %dma_start3A_26 : memref<1x128xi32, #tpu.memory_space<vmem>> -> memref<128xi32, #tpu.memory_space<vmem>>
    %dma_start3A_28 = arith.constant 0 : i32
    %dma_start3A_29 = arith.constant 0 : i32
    %dma_start3A_30 = tpu.memref_slice %arg2[%dma_start3A_28, %dma_start3A_29] : memref<100000x128xf32, #tpu.memory_space<hbm>> -> memref<100000x128xf32, #tpu.memory_space<hbm>>
    tpu.enqueue_indirect_dma source(%dma_start3A_30 : memref<100000x128xf32, #tpu.memory_space<hbm>>) target(%arg6 : memref<128x128xf32, #tpu.memory_space<vmem>>) offsets(%dma_start3A_27 : memref<128xi32, #tpu.memory_space<vmem>>) semaphore(%arg8 : memref<!tpu.dma_semaphore, #tpu.memory_space<semaphore_mem>>)
    %dma_wait3A_31 = arith.constant 1 : i32
    %dma_wait3A_32 = arith.constant 0 : i32
    %dma_wait3A_33 = tpu.memref_slice %arg5[%dma_wait3A_31, %dma_wait3A_32] : memref<6x128xi32, #tpu.memory_space<vmem>> -> memref<1x128xi32, #tpu.memory_space<vmem>>
    %dma_wait3A_34 = tpu.memref_squeeze %dma_wait3A_33 : memref<1x128xi32, #tpu.memory_space<vmem>> -> memref<128xi32, #tpu.memory_space<vmem>>
    %dma_wait3A_35 = arith.constant 0 : i32
    %dma_wait3A_36 = arith.constant 0 : i32
    %dma_wait3A_37 = tpu.memref_slice %arg2[%dma_wait3A_35, %dma_wait3A_36] : memref<100000x128xf32, #tpu.memory_space<hbm>> -> memref<100000x128xf32, #tpu.memory_space<hbm>>
    tpu.wait_indirect_dma semaphore(%arg9 : memref<!tpu.dma_semaphore, #tpu.memory_space<semaphore_mem>>) src(%dma_wait3A_37 : memref<100000x128xf32, #tpu.memory_space<hbm>>) dst(%arg7 : memref<128x128xf32, #tpu.memory_space<vmem>>)
    %add3A_38 = arith.constant 128 : i32
    %add3A_39 = arith.addi %mul3A_2, %add3A_38 : i32
    "tpu.region"() ({
      %run_scoped3A = tpu.sem_alloc : memref<!tpu.dma_semaphore, #tpu.memory_space<semaphore_mem>>
      %dma_start3A_97 = arith.constant 0 : i32
      %dma_start3A_98 = tpu.memref_slice %arg4[%add3A_39, %dma_start3A_97] : memref<24576x128xf32, #tpu.memory_space<hbm>> -> memref<128x128xf32, #tpu.memory_space<hbm>>
      %dma_start3A_99 = arith.constant 0 : i32
      %dma_start3A_100 = tpu.memref_slice %arg4[%add3A_39, %dma_start3A_99] : memref<24576x128xf32, #tpu.memory_space<hbm>> -> memref<128x128xf32, #tpu.memory_space<hbm>>
      tpu.enqueue_dma source(%arg7 : memref<128x128xf32, #tpu.memory_space<vmem>>) target(%dma_start3A_100 : memref<128x128xf32, #tpu.memory_space<hbm>>) target_semaphore(%run_scoped3A : memref<!tpu.dma_semaphore, #tpu.memory_space<semaphore_mem>>)
      %dma_wait3A_101 = arith.constant 0 : i32
      %dma_wait3A_102 = tpu.memref_slice %arg4[%add3A_39, %dma_wait3A_101] : memref<24576x128xf32, #tpu.memory_space<hbm>> -> memref<128x128xf32, #tpu.memory_space<hbm>>
      %dma_wait3A_103 = arith.constant 0 : i32
      %dma_wait3A_104 = tpu.memref_slice %arg4[%add3A_39, %dma_wait3A_103] : memref<24576x128xf32, #tpu.memory_space<hbm>> -> memref<128x128xf32, #tpu.memory_space<hbm>>
      tpu.wait_dma2 semaphore(%run_scoped3A : memref<!tpu.dma_semaphore, #tpu.memory_space<semaphore_mem>>) src(%arg7 : memref<128x128xf32, #tpu.memory_space<vmem>>) dst(%dma_wait3A_104 : memref<128x128xf32, #tpu.memory_space<hbm>>)
      tpu.yield
    }) : () -> ()
    %dma_start3A_40 = arith.constant 3 : i32
    %dma_start3A_41 = arith.constant 0 : i32
    %dma_start3A_42 = tpu.memref_slice %arg5[%dma_start3A_40, %dma_start3A_41] : memref<6x128xi32, #tpu.memory_space<vmem>> -> memref<1x128xi32, #tpu.memory_space<vmem>>
    %dma_start3A_43 = tpu.memref_squeeze %dma_start3A_42 : memref<1x128xi32, #tpu.memory_space<vmem>> -> memref<128xi32, #tpu.memory_space<vmem>>
    %dma_start3A_44 = arith.constant 0 : i32
    %dma_start3A_45 = arith.constant 0 : i32
    %dma_start3A_46 = tpu.memref_slice %arg2[%dma_start3A_44, %dma_start3A_45] : memref<100000x128xf32, #tpu.memory_space<hbm>> -> memref<100000x128xf32, #tpu.memory_space<hbm>>
    tpu.enqueue_indirect_dma source(%dma_start3A_46 : memref<100000x128xf32, #tpu.memory_space<hbm>>) target(%arg7 : memref<128x128xf32, #tpu.memory_space<vmem>>) offsets(%dma_start3A_43 : memref<128xi32, #tpu.memory_space<vmem>>) semaphore(%arg9 : memref<!tpu.dma_semaphore, #tpu.memory_space<semaphore_mem>>)
    %dma_wait3A_47 = arith.constant 2 : i32
    %dma_wait3A_48 = arith.constant 0 : i32
    %dma_wait3A_49 = tpu.memref_slice %arg5[%dma_wait3A_47, %dma_wait3A_48] : memref<6x128xi32, #tpu.memory_space<vmem>> -> memref<1x128xi32, #tpu.memory_space<vmem>>
    %dma_wait3A_50 = tpu.memref_squeeze %dma_wait3A_49 : memref<1x128xi32, #tpu.memory_space<vmem>> -> memref<128xi32, #tpu.memory_space<vmem>>
    %dma_wait3A_51 = arith.constant 0 : i32
    %dma_wait3A_52 = arith.constant 0 : i32
    %dma_wait3A_53 = tpu.memref_slice %arg2[%dma_wait3A_51, %dma_wait3A_52] : memref<100000x128xf32, #tpu.memory_space<hbm>> -> memref<100000x128xf32, #tpu.memory_space<hbm>>
    tpu.wait_indirect_dma semaphore(%arg8 : memref<!tpu.dma_semaphore, #tpu.memory_space<semaphore_mem>>) src(%dma_wait3A_53 : memref<100000x128xf32, #tpu.memory_space<hbm>>) dst(%arg6 : memref<128x128xf32, #tpu.memory_space<vmem>>)
    %add3A_54 = arith.constant 256 : i32
    %add3A_55 = arith.addi %mul3A_2, %add3A_54 : i32
    "tpu.region"() ({
      %run_scoped3A = tpu.sem_alloc : memref<!tpu.dma_semaphore, #tpu.memory_space<semaphore_mem>>
      %dma_start3A_97 = arith.constant 0 : i32
      %dma_start3A_98 = tpu.memref_slice %arg4[%add3A_55, %dma_start3A_97] : memref<24576x128xf32, #tpu.memory_space<hbm>> -> memref<128x128xf32, #tpu.memory_space<hbm>>
      %dma_start3A_99 = arith.constant 0 : i32
      %dma_start3A_100 = tpu.memref_slice %arg4[%add3A_55, %dma_start3A_99] : memref<24576x128xf32, #tpu.memory_space<hbm>> -> memref<128x128xf32, #tpu.memory_space<hbm>>
      tpu.enqueue_dma source(%arg6 : memref<128x128xf32, #tpu.memory_space<vmem>>) target(%dma_start3A_100 : memref<128x128xf32, #tpu.memory_space<hbm>>) target_semaphore(%run_scoped3A : memref<!tpu.dma_semaphore, #tpu.memory_space<semaphore_mem>>)
      %dma_wait3A_101 = arith.constant 0 : i32
      %dma_wait3A_102 = tpu.memref_slice %arg4[%add3A_55, %dma_wait3A_101] : memref<24576x128xf32, #tpu.memory_space<hbm>> -> memref<128x128xf32, #tpu.memory_space<hbm>>
      %dma_wait3A_103 = arith.constant 0 : i32
      %dma_wait3A_104 = tpu.memref_slice %arg4[%add3A_55, %dma_wait3A_103] : memref<24576x128xf32, #tpu.memory_space<hbm>> -> memref<128x128xf32, #tpu.memory_space<hbm>>
      tpu.wait_dma2 semaphore(%run_scoped3A : memref<!tpu.dma_semaphore, #tpu.memory_space<semaphore_mem>>) src(%arg6 : memref<128x128xf32, #tpu.memory_space<vmem>>) dst(%dma_wait3A_104 : memref<128x128xf32, #tpu.memory_space<hbm>>)
      tpu.yield
    }) : () -> ()
    %dma_start3A_56 = arith.constant 4 : i32
    %dma_start3A_57 = arith.constant 0 : i32
    %dma_start3A_58 = tpu.memref_slice %arg5[%dma_start3A_56, %dma_start3A_57] : memref<6x128xi32, #tpu.memory_space<vmem>> -> memref<1x128xi32, #tpu.memory_space<vmem>>
    %dma_start3A_59 = tpu.memref_squeeze %dma_start3A_58 : memref<1x128xi32, #tpu.memory_space<vmem>> -> memref<128xi32, #tpu.memory_space<vmem>>
    %dma_start3A_60 = arith.constant 0 : i32
    %dma_start3A_61 = arith.constant 0 : i32
    %dma_start3A_62 = tpu.memref_slice %arg2[%dma_start3A_60, %dma_start3A_61] : memref<100000x128xf32, #tpu.memory_space<hbm>> -> memref<100000x128xf32, #tpu.memory_space<hbm>>
    tpu.enqueue_indirect_dma source(%dma_start3A_62 : memref<100000x128xf32, #tpu.memory_space<hbm>>) target(%arg6 : memref<128x128xf32, #tpu.memory_space<vmem>>) offsets(%dma_start3A_59 : memref<128xi32, #tpu.memory_space<vmem>>) semaphore(%arg8 : memref<!tpu.dma_semaphore, #tpu.memory_space<semaphore_mem>>)
    %dma_wait3A_63 = arith.constant 3 : i32
    %dma_wait3A_64 = arith.constant 0 : i32
    %dma_wait3A_65 = tpu.memref_slice %arg5[%dma_wait3A_63, %dma_wait3A_64] : memref<6x128xi32, #tpu.memory_space<vmem>> -> memref<1x128xi32, #tpu.memory_space<vmem>>
    %dma_wait3A_66 = tpu.memref_squeeze %dma_wait3A_65 : memref<1x128xi32, #tpu.memory_space<vmem>> -> memref<128xi32, #tpu.memory_space<vmem>>
    %dma_wait3A_67 = arith.constant 0 : i32
    %dma_wait3A_68 = arith.constant 0 : i32
    %dma_wait3A_69 = tpu.memref_slice %arg2[%dma_wait3A_67, %dma_wait3A_68] : memref<100000x128xf32, #tpu.memory_space<hbm>> -> memref<100000x128xf32, #tpu.memory_space<hbm>>
    tpu.wait_indirect_dma semaphore(%arg9 : memref<!tpu.dma_semaphore, #tpu.memory_space<semaphore_mem>>) src(%dma_wait3A_69 : memref<100000x128xf32, #tpu.memory_space<hbm>>) dst(%arg7 : memref<128x128xf32, #tpu.memory_space<vmem>>)
    %add3A_70 = arith.constant 384 : i32
    %add3A_71 = arith.addi %mul3A_2, %add3A_70 : i32
    "tpu.region"() ({
      %run_scoped3A = tpu.sem_alloc : memref<!tpu.dma_semaphore, #tpu.memory_space<semaphore_mem>>
      %dma_start3A_97 = arith.constant 0 : i32
      %dma_start3A_98 = tpu.memref_slice %arg4[%add3A_71, %dma_start3A_97] : memref<24576x128xf32, #tpu.memory_space<hbm>> -> memref<128x128xf32, #tpu.memory_space<hbm>>
      %dma_start3A_99 = arith.constant 0 : i32
      %dma_start3A_100 = tpu.memref_slice %arg4[%add3A_71, %dma_start3A_99] : memref<24576x128xf32, #tpu.memory_space<hbm>> -> memref<128x128xf32, #tpu.memory_space<hbm>>
      tpu.enqueue_dma source(%arg7 : memref<128x128xf32, #tpu.memory_space<vmem>>) target(%dma_start3A_100 : memref<128x128xf32, #tpu.memory_space<hbm>>) target_semaphore(%run_scoped3A : memref<!tpu.dma_semaphore, #tpu.memory_space<semaphore_mem>>)
      %dma_wait3A_101 = arith.constant 0 : i32
      %dma_wait3A_102 = tpu.memref_slice %arg4[%add3A_71, %dma_wait3A_101] : memref<24576x128xf32, #tpu.memory_space<hbm>> -> memref<128x128xf32, #tpu.memory_space<hbm>>
      %dma_wait3A_103 = arith.constant 0 : i32
      %dma_wait3A_104 = tpu.memref_slice %arg4[%add3A_71, %dma_wait3A_103] : memref<24576x128xf32, #tpu.memory_space<hbm>> -> memref<128x128xf32, #tpu.memory_space<hbm>>
      tpu.wait_dma2 semaphore(%run_scoped3A : memref<!tpu.dma_semaphore, #tpu.memory_space<semaphore_mem>>) src(%arg7 : memref<128x128xf32, #tpu.memory_space<vmem>>) dst(%dma_wait3A_104 : memref<128x128xf32, #tpu.memory_space<hbm>>)
      tpu.yield
    }) : () -> ()
    %dma_start3A_72 = arith.constant 5 : i32
    %dma_start3A_73 = arith.constant 0 : i32
    %dma_start3A_74 = tpu.memref_slice %arg5[%dma_start3A_72, %dma_start3A_73] : memref<6x128xi32, #tpu.memory_space<vmem>> -> memref<1x128xi32, #tpu.memory_space<vmem>>
    %dma_start3A_75 = tpu.memref_squeeze %dma_start3A_74 : memref<1x128xi32, #tpu.memory_space<vmem>> -> memref<128xi32, #tpu.memory_space<vmem>>
    %dma_start3A_76 = arith.constant 0 : i32
    %dma_start3A_77 = arith.constant 0 : i32
    %dma_start3A_78 = tpu.memref_slice %arg2[%dma_start3A_76, %dma_start3A_77] : memref<100000x128xf32, #tpu.memory_space<hbm>> -> memref<100000x128xf32, #tpu.memory_space<hbm>>
    tpu.enqueue_indirect_dma source(%dma_start3A_78 : memref<100000x128xf32, #tpu.memory_space<hbm>>) target(%arg7 : memref<128x128xf32, #tpu.memory_space<vmem>>) offsets(%dma_start3A_75 : memref<128xi32, #tpu.memory_space<vmem>>) semaphore(%arg9 : memref<!tpu.dma_semaphore, #tpu.memory_space<semaphore_mem>>)
    %dma_wait3A_79 = arith.constant 4 : i32
    %dma_wait3A_80 = arith.constant 0 : i32
    %dma_wait3A_81 = tpu.memref_slice %arg5[%dma_wait3A_79, %dma_wait3A_80] : memref<6x128xi32, #tpu.memory_space<vmem>> -> memref<1x128xi32, #tpu.memory_space<vmem>>
    %dma_wait3A_82 = tpu.memref_squeeze %dma_wait3A_81 : memref<1x128xi32, #tpu.memory_space<vmem>> -> memref<128xi32, #tpu.memory_space<vmem>>
    %dma_wait3A_83 = arith.constant 0 : i32
    %dma_wait3A_84 = arith.constant 0 : i32
    %dma_wait3A_85 = tpu.memref_slice %arg2[%dma_wait3A_83, %dma_wait3A_84] : memref<100000x128xf32, #tpu.memory_space<hbm>> -> memref<100000x128xf32, #tpu.memory_space<hbm>>
    tpu.wait_indirect_dma semaphore(%arg8 : memref<!tpu.dma_semaphore, #tpu.memory_space<semaphore_mem>>) src(%dma_wait3A_85 : memref<100000x128xf32, #tpu.memory_space<hbm>>) dst(%arg6 : memref<128x128xf32, #tpu.memory_space<vmem>>)
    %add3A_86 = arith.constant 512 : i32
    %add3A_87 = arith.addi %mul3A_2, %add3A_86 : i32
    "tpu.region"() ({
      %run_scoped3A = tpu.sem_alloc : memref<!tpu.dma_semaphore, #tpu.memory_space<semaphore_mem>>
      %dma_start3A_97 = arith.constant 0 : i32
      %dma_start3A_98 = tpu.memref_slice %arg4[%add3A_87, %dma_start3A_97] : memref<24576x128xf32, #tpu.memory_space<hbm>> -> memref<128x128xf32, #tpu.memory_space<hbm>>
      %dma_start3A_99 = arith.constant 0 : i32
      %dma_start3A_100 = tpu.memref_slice %arg4[%add3A_87, %dma_start3A_99] : memref<24576x128xf32, #tpu.memory_space<hbm>> -> memref<128x128xf32, #tpu.memory_space<hbm>>
      tpu.enqueue_dma source(%arg6 : memref<128x128xf32, #tpu.memory_space<vmem>>) target(%dma_start3A_100 : memref<128x128xf32, #tpu.memory_space<hbm>>) target_semaphore(%run_scoped3A : memref<!tpu.dma_semaphore, #tpu.memory_space<semaphore_mem>>)
      %dma_wait3A_101 = arith.constant 0 : i32
      %dma_wait3A_102 = tpu.memref_slice %arg4[%add3A_87, %dma_wait3A_101] : memref<24576x128xf32, #tpu.memory_space<hbm>> -> memref<128x128xf32, #tpu.memory_space<hbm>>
      %dma_wait3A_103 = arith.constant 0 : i32
      %dma_wait3A_104 = tpu.memref_slice %arg4[%add3A_87, %dma_wait3A_103] : memref<24576x128xf32, #tpu.memory_space<hbm>> -> memref<128x128xf32, #tpu.memory_space<hbm>>
      tpu.wait_dma2 semaphore(%run_scoped3A : memref<!tpu.dma_semaphore, #tpu.memory_space<semaphore_mem>>) src(%arg6 : memref<128x128xf32, #tpu.memory_space<vmem>>) dst(%dma_wait3A_104 : memref<128x128xf32, #tpu.memory_space<hbm>>)
      tpu.yield
    }) : () -> ()
    %dma_wait3A_88 = arith.constant 5 : i32
    %dma_wait3A_89 = arith.constant 0 : i32
    %dma_wait3A_90 = tpu.memref_slice %arg5[%dma_wait3A_88, %dma_wait3A_89] : memref<6x128xi32, #tpu.memory_space<vmem>> -> memref<1x128xi32, #tpu.memory_space<vmem>>
    %dma_wait3A_91 = tpu.memref_squeeze %dma_wait3A_90 : memref<1x128xi32, #tpu.memory_space<vmem>> -> memref<128xi32, #tpu.memory_space<vmem>>
    %dma_wait3A_92 = arith.constant 0 : i32
    %dma_wait3A_93 = arith.constant 0 : i32
    %dma_wait3A_94 = tpu.memref_slice %arg2[%dma_wait3A_92, %dma_wait3A_93] : memref<100000x128xf32, #tpu.memory_space<hbm>> -> memref<100000x128xf32, #tpu.memory_space<hbm>>
    tpu.wait_indirect_dma semaphore(%arg9 : memref<!tpu.dma_semaphore, #tpu.memory_space<semaphore_mem>>) src(%dma_wait3A_94 : memref<100000x128xf32, #tpu.memory_space<hbm>>) dst(%arg7 : memref<128x128xf32, #tpu.memory_space<vmem>>)
    %add3A_95 = arith.constant 640 : i32
    %add3A_96 = arith.addi %mul3A_2, %add3A_95 : i32
    "tpu.region"() ({
      %run_scoped3A = tpu.sem_alloc : memref<!tpu.dma_semaphore, #tpu.memory_space<semaphore_mem>>
      %dma_start3A_97 = arith.constant 0 : i32
      %dma_start3A_98 = tpu.memref_slice %arg4[%add3A_96, %dma_start3A_97] : memref<24576x128xf32, #tpu.memory_space<hbm>> -> memref<128x128xf32, #tpu.memory_space<hbm>>
      %dma_start3A_99 = arith.constant 0 : i32
      %dma_start3A_100 = tpu.memref_slice %arg4[%add3A_96, %dma_start3A_99] : memref<24576x128xf32, #tpu.memory_space<hbm>> -> memref<128x128xf32, #tpu.memory_space<hbm>>
      tpu.enqueue_dma source(%arg7 : memref<128x128xf32, #tpu.memory_space<vmem>>) target(%dma_start3A_100 : memref<128x128xf32, #tpu.memory_space<hbm>>) target_semaphore(%run_scoped3A : memref<!tpu.dma_semaphore, #tpu.memory_space<semaphore_mem>>)
      %dma_wait3A_101 = arith.constant 0 : i32
      %dma_wait3A_102 = tpu.memref_slice %arg4[%add3A_96, %dma_wait3A_101] : memref<24576x128xf32, #tpu.memory_space<hbm>> -> memref<128x128xf32, #tpu.memory_space<hbm>>
      %dma_wait3A_103 = arith.constant 0 : i32
      %dma_wait3A_104 = tpu.memref_slice %arg4[%add3A_96, %dma_wait3A_103] : memref<24576x128xf32, #tpu.memory_space<hbm>> -> memref<128x128xf32, #tpu.memory_space<hbm>>
      tpu.wait_dma2 semaphore(%run_scoped3A : memref<!tpu.dma_semaphore, #tpu.memory_space<semaphore_mem>>) src(%arg7 : memref<128x128xf32, #tpu.memory_space<vmem>>) dst(%dma_wait3A_104 : memref<128x128xf32, #tpu.memory_space<hbm>>)
      tpu.yield
    }) : () -> ()
    return
  }
}

module attributes {stable_mosaic.version = 14 : i64} {
  func.func @_tail_body(%arg0: i32, %arg1: memref<1x2xf32, #tpu.memory_space<vmem>>, %arg2: memref<1x1xf32, #tpu.memory_space<vmem>>, %arg3: memref<2048x128xf32, #tpu.memory_space<vmem>>, %arg4: memref<2048x128xf32, #tpu.memory_space<vmem>>, %arg5: memref<4096x128xf32, #tpu.memory_space<vmem>>, %arg6: memref<1x1xf32, #tpu.memory_space<vmem>>, %arg7: memref<2048x1xf32, #tpu.memory_space<vmem>>, %arg8: memref<2048x128xbf16, #tpu.memory_space<vmem>>) attributes {dimension_semantics = [#tpu.dimension_semantics<arbitrary>], iteration_bounds = array<i64: 5>, scalar_prefetch = 0 : i64, scratch_operands = 2 : i64, tpu.core_type = #tpu.core_type<tc>, window_params = [{pipeline_mode = #tpu.pipeline_mode<synchronous>, transform_indices = @transform_0, window_bounds = array<i64: 1, 2>}, {pipeline_mode = #tpu.pipeline_mode<synchronous>, transform_indices = @transform_1, window_bounds = array<i64: 1, 1>}, {transform_indices = @transform_2, window_bounds = array<i64: 2048, 128>}, {transform_indices = @transform_3, window_bounds = array<i64: 2048, 128>}, {transform_indices = @transform_4, window_bounds = array<i64: 4096, 128>}, {pipeline_mode = #tpu.pipeline_mode<synchronous>, transform_indices = @transform_5, window_bounds = array<i64: 1, 1>}]} {
    %eq3A = arith.constant 0 : i32
    %eq3A_0 = arith.cmpi eq, %arg0, %eq3A : i32
    %convert_element_type3A = arith.extui %eq3A_0 : i1 to i32
    %cond3A = arith.constant 0 : i32
    %cond3A_1 = arith.cmpi ne, %convert_element_type3A, %cond3A : i32
    scf.if %cond3A_1 {
      %get3A_33 = arith.constant 0 : index
      %get3A_34 = arith.constant 0 : index
      %get3A_35 = vector.load %arg3[%get3A_33, %get3A_34] : memref<2048x128xf32, #tpu.memory_space<vmem>>, vector<2048x128xf32>
      %mul3A_36 = arith.mulf %get3A_35, %get3A_35 : vector<2048x128xf32>
      %reduce_sum3A_37 = arith.constant dense<0.000000e+00> : vector<2048xf32>
      %reduce_sum3A_38 = vector.multi_reduction <add>, %mul3A_36, %reduce_sum3A_37 [1] : vector<2048x128xf32> to vector<2048xf32>
      %broadcast_in_dim3A_39 = vector.shape_cast %reduce_sum3A_38 : vector<2048xf32> to vector<2048x1xf32>
      %max3A_40 = arith.constant 1.000000e-24 : f32
      %max3A_41 = vector.broadcast %max3A_40 : f32 to vector<2048x1xf32>
      %max3A_42 = arith.maximumf %broadcast_in_dim3A_39, %max3A_41 : vector<2048x1xf32>
      %rsqrt3A_43 = math.rsqrt %max3A_42 : vector<2048x1xf32>
      %mul3A_44 = vector.broadcast %rsqrt3A_43 : vector<2048x1xf32> to vector<2048x128xf32>
      %mul3A_45 = arith.mulf %get3A_35, %mul3A_44 : vector<2048x128xf32>
      %mul3A_46 = arith.constant 2.885390e+00 : f32
      %mul3A_47 = vector.broadcast %mul3A_46 : f32 to vector<2048x128xf32>
      %mul3A_48 = arith.mulf %mul3A_45, %mul3A_47 : vector<2048x128xf32>
      %convert_element_type3A_49 = arith.truncf %mul3A_48 : vector<2048x128xf32> to vector<2048x128xbf16>
      %swap3A = arith.constant 0 : index
      %swap3A_50 = arith.constant 0 : index
      %swap3A_51 = vector.load %arg8[%swap3A, %swap3A_50] : memref<2048x128xbf16, #tpu.memory_space<vmem>>, vector<2048x128xbf16>
      tpu.vector_store %arg8[%swap3A, %swap3A_50], %convert_element_type3A_49 {strides = array<i32>} : memref<2048x128xbf16, #tpu.memory_space<vmem>>, vector<2048x128xbf16>,
    } else {
    }
    %get3A = arith.constant 0 : index
    %get3A_2 = arith.constant 0 : index
    %get3A_3 = vector.load %arg5[%get3A, %get3A_2] : memref<4096x128xf32, #tpu.memory_space<vmem>>, vector<4096x128xf32>
    %mul3A = arith.mulf %get3A_3, %get3A_3 : vector<4096x128xf32>
    %reduce_sum3A = arith.constant dense<0.000000e+00> : vector<4096xf32>
    %reduce_sum3A_4 = vector.multi_reduction <add>, %mul3A, %reduce_sum3A [1] : vector<4096x128xf32> to vector<4096xf32>
    %broadcast_in_dim3A = vector.shape_cast %reduce_sum3A_4 : vector<4096xf32> to vector<4096x1xf32>
    %max3A = arith.constant 1.000000e-24 : f32
    %max3A_5 = vector.broadcast %max3A : f32 to vector<4096x1xf32>
    %max3A_6 = arith.maximumf %broadcast_in_dim3A, %max3A_5 : vector<4096x1xf32>
    %rsqrt3A = math.rsqrt %max3A_6 : vector<4096x1xf32>
    %mul3A_7 = vector.broadcast %rsqrt3A : vector<4096x1xf32> to vector<4096x128xf32>
    %mul3A_8 = arith.mulf %get3A_3, %mul3A_7 : vector<4096x128xf32>
    %get3A_9 = arith.constant 0 : index
    %get3A_10 = arith.constant 0 : index
    %get3A_11 = vector.load %arg8[%get3A_9, %get3A_10] : memref<2048x128xbf16, #tpu.memory_space<vmem>>, vector<2048x128xbf16>
    %convert_element_type3A_12 = arith.truncf %mul3A_8 : vector<4096x128xf32> to vector<4096x128xbf16>
    %dot_general3A = arith.constant dense<0.000000e+00> : vector<2048x4096xf32>
    %dot_general3A_13 = tpu.matmul %get3A_11, %convert_element_type3A_12, %dot_general3A {dimension_numbers = #tpu.dot_dimension_numbers<[1], [1], [0], [0], [0, 0, 1, 0], [], []>, transpose_lhs_hint = false} : vector<2048x128xbf16>, vector<4096x128xbf16>, vector<2048x4096xf32> -> vector<2048x4096xf32>
    %convert_element_type3A_14 = arith.truncf %dot_general3A_13 : vector<2048x4096xf32> to vector<2048x4096xbf16>
    %exp23A = math.exp2 %convert_element_type3A_14 : vector<2048x4096xbf16>
    %convert_element_type3A_15 = arith.extf %exp23A : vector<2048x4096xbf16> to vector<2048x4096xf32>
    %reduce_sum3A_16 = arith.constant dense<0.000000e+00> : vector<2048xf32>
    %reduce_sum3A_17 = vector.multi_reduction <add>, %convert_element_type3A_15, %reduce_sum3A_16 [1] : vector<2048x4096xf32> to vector<2048xf32>
    %broadcast_in_dim3A_18 = vector.shape_cast %reduce_sum3A_17 : vector<2048xf32> to vector<2048x1xf32>
    %eq3A_19 = arith.constant 0 : i32
    %eq3A_20 = arith.cmpi eq, %arg0, %eq3A_19 : i32
    %convert_element_type3A_21 = arith.extui %eq3A_20 : i1 to i32
    %cond3A_22 = arith.constant 0 : i32
    %cond3A_23 = arith.cmpi ne, %convert_element_type3A_21, %cond3A_22 : i32
    scf.if %cond3A_23 {
      %swap3A = arith.constant 0 : index
      %swap3A_33 = arith.constant 0 : index
      %swap3A_34 = vector.load %arg7[%swap3A, %swap3A_33] : memref<2048x1xf32, #tpu.memory_space<vmem>>, vector<2048x1xf32>
      tpu.vector_store %arg7[%swap3A, %swap3A_33], %broadcast_in_dim3A_18 {strides = array<i32>} : memref<2048x1xf32, #tpu.memory_space<vmem>>, vector<2048x1xf32>,
    } else {
    }
    %gt3A = arith.constant 0 : i32
    %gt3A_24 = arith.cmpi sgt, %arg0, %gt3A : i32
    %convert_element_type3A_25 = arith.extui %gt3A_24 : i1 to i32
    %cond3A_26 = arith.constant 0 : i32
    %cond3A_27 = arith.cmpi ne, %convert_element_type3A_25, %cond3A_26 : i32
    scf.if %cond3A_27 {
      %get3A_33 = arith.constant 0 : index
      %get3A_34 = arith.constant 0 : index
      %get3A_35 = vector.load %arg7[%get3A_33, %get3A_34] : memref<2048x1xf32, #tpu.memory_space<vmem>>, vector<2048x1xf32>
      %add3A = arith.addf %get3A_35, %broadcast_in_dim3A_18 : vector<2048x1xf32>
      %swap3A = arith.constant 0 : index
      %swap3A_36 = arith.constant 0 : index
      %swap3A_37 = vector.load %arg7[%swap3A, %swap3A_36] : memref<2048x1xf32, #tpu.memory_space<vmem>>, vector<2048x1xf32>
      tpu.vector_store %arg7[%swap3A, %swap3A_36], %add3A {strides = array<i32>} : memref<2048x1xf32, #tpu.memory_space<vmem>>, vector<2048x1xf32>,
    } else {
    }
    %eq3A_28 = arith.constant 4 : i32
    %eq3A_29 = arith.cmpi eq, %arg0, %eq3A_28 : i32
    %convert_element_type3A_30 = arith.extui %eq3A_29 : i1 to i32
    %cond3A_31 = arith.constant 0 : i32
    %cond3A_32 = arith.cmpi ne, %convert_element_type3A_30, %cond3A_31 : i32
    scf.if %cond3A_32 {
      %get3A_33 = arith.constant 0 : index
      %get3A_34 = arith.constant 0 : index
      %get3A_35 = vector.load %arg3[%get3A_33, %get3A_34] : memref<2048x128xf32, #tpu.memory_space<vmem>>, vector<2048x128xf32>
      %mul3A_36 = arith.mulf %get3A_35, %get3A_35 : vector<2048x128xf32>
      %reduce_sum3A_37 = arith.constant dense<0.000000e+00> : vector<2048xf32>
      %reduce_sum3A_38 = vector.multi_reduction <add>, %mul3A_36, %reduce_sum3A_37 [1] : vector<2048x128xf32> to vector<2048xf32>
      %broadcast_in_dim3A_39 = vector.shape_cast %reduce_sum3A_38 : vector<2048xf32> to vector<2048x1xf32>
      %max3A_40 = arith.constant 1.000000e-24 : f32
      %max3A_41 = vector.broadcast %max3A_40 : f32 to vector<2048x1xf32>
      %max3A_42 = arith.maximumf %broadcast_in_dim3A_39, %max3A_41 : vector<2048x1xf32>
      %rsqrt3A_43 = math.rsqrt %max3A_42 : vector<2048x1xf32>
      %mul3A_44 = vector.broadcast %rsqrt3A_43 : vector<2048x1xf32> to vector<2048x128xf32>
      %mul3A_45 = arith.mulf %get3A_35, %mul3A_44 : vector<2048x128xf32>
      %get3A_46 = arith.constant 0 : index
      %get3A_47 = arith.constant 0 : index
      %get3A_48 = vector.load %arg4[%get3A_46, %get3A_47] : memref<2048x128xf32, #tpu.memory_space<vmem>>, vector<2048x128xf32>
      %mul3A_49 = arith.mulf %get3A_48, %get3A_48 : vector<2048x128xf32>
      %reduce_sum3A_50 = arith.constant dense<0.000000e+00> : vector<2048xf32>
      %reduce_sum3A_51 = vector.multi_reduction <add>, %mul3A_49, %reduce_sum3A_50 [1] : vector<2048x128xf32> to vector<2048xf32>
      %broadcast_in_dim3A_52 = vector.shape_cast %reduce_sum3A_51 : vector<2048xf32> to vector<2048x1xf32>
      %max3A_53 = arith.constant 1.000000e-24 : f32
      %max3A_54 = vector.broadcast %max3A_53 : f32 to vector<2048x1xf32>
      %max3A_55 = arith.maximumf %broadcast_in_dim3A_52, %max3A_54 : vector<2048x1xf32>
      %rsqrt3A_56 = math.rsqrt %max3A_55 : vector<2048x1xf32>
      %mul3A_57 = vector.broadcast %rsqrt3A_56 : vector<2048x1xf32> to vector<2048x128xf32>
      %mul3A_58 = arith.mulf %get3A_48, %mul3A_57 : vector<2048x128xf32>
      %mul3A_59 = arith.mulf %mul3A_45, %mul3A_58 : vector<2048x128xf32>
      %reduce_sum3A_60 = arith.constant dense<0.000000e+00> : vector<2048xf32>
      %reduce_sum3A_61 = vector.multi_reduction <add>, %mul3A_59, %reduce_sum3A_60 [1] : vector<2048x128xf32> to vector<2048xf32>
      %broadcast_in_dim3A_62 = vector.shape_cast %reduce_sum3A_61 : vector<2048xf32> to vector<2048x1xf32>
      %mul3A_63 = arith.constant 2.000000e+00 : f32
      %mul3A_64 = vector.broadcast %mul3A_63 : f32 to vector<2048x1xf32>
      %mul3A_65 = arith.mulf %broadcast_in_dim3A_62, %mul3A_64 : vector<2048x1xf32>
      %get3A_66 = arith.constant 0 : index
      %get3A_67 = arith.constant 0 : index
      %get3A_68 = vector.load %arg7[%get3A_66, %get3A_67] : memref<2048x1xf32, #tpu.memory_space<vmem>>, vector<2048x1xf32>
      %exp3A = math.exp %mul3A_65 : vector<2048x1xf32>
      %add3A = arith.addf %get3A_68, %exp3A : vector<2048x1xf32>
      %log3A = math.log %add3A : vector<2048x1xf32>
      %sub3A = arith.subf %log3A, %mul3A_65 : vector<2048x1xf32>
      %reduce_sum3A_69 = vector.shape_cast %sub3A : vector<2048x1xf32> to vector<1x2048x1xf32>
      %reduce_sum3A_70 = arith.constant dense<0.000000e+00> : vector<1xf32>
      %reduce_sum3A_71 = vector.multi_reduction <add>, %reduce_sum3A_69, %reduce_sum3A_70 [1, 2] : vector<1x2048x1xf32> to vector<1xf32>
      %reduce_sum3A_72 = vector.shape_cast %reduce_sum3A_71 : vector<1xf32> to vector<1x1x1xf32>
      %reduce_sum3A_73 = vector.extract %reduce_sum3A_72[0, 0, 0] : f32 from vector<1x1x1xf32>
      %div3A = arith.constant 2.048000e+03 : f32
      %div3A_74 = arith.divf %reduce_sum3A_73, %div3A : f32
      %get3A_75 = arith.constant 0 : index
      %get3A_76 = arith.constant 0 : index
      %get3A_77 = vector.load %arg1[%get3A_75, %get3A_76] : memref<1x2xf32, #tpu.memory_space<vmem>>, vector<1x1xf32>
      %get3A_78 = vector.extract %get3A_77[0, 0] : f32 from vector<1x1xf32>
      %mul3A_79 = arith.constant 2.000000e+00 : f32
      %mul3A_80 = arith.mulf %mul3A_79, %get3A_78 : f32
      %mul3A_81 = arith.mulf %mul3A_80, %get3A_78 : f32
      %div3A_82 = arith.divf %div3A_74, %mul3A_81 : f32
      %log3A_83 = math.log %get3A_78 : f32
      %add3A_84 = arith.addf %div3A_82, %log3A_83 : f32
      %get3A_85 = arith.constant 0 : index
      %get3A_86 = arith.constant 0 : index
      %get3A_87 = vector.load %arg2[%get3A_85, %get3A_86] : memref<1x1xf32, #tpu.memory_space<vmem>>, vector<1x1xf32>
      %reshape3A = vector.broadcast %add3A_84 : f32 to vector<1x1xf32>
      %add3A_88 = arith.addf %get3A_87, %reshape3A : vector<1x1xf32>
      %swap3A = arith.constant 0 : index
      %swap3A_89 = arith.constant 0 : index
      %swap3A_90 = vector.load %arg6[%swap3A, %swap3A_89] : memref<1x1xf32, #tpu.memory_space<vmem>>, vector<1x1xf32>
      tpu.vector_store %arg6[%swap3A, %swap3A_89], %add3A_88 {strides = array<i32>} : memref<1x1xf32, #tpu.memory_space<vmem>>, vector<1x1xf32>,
    } else {
    }
    return
  }
  func.func @transform_0(%arg0: i32) -> (i32, i32) {
    %c0_i32 = arith.constant 0 : i32
    %c0_i32_0 = arith.constant 0 : i32
    %c0_i32_1 = arith.constant 0 : i32
    return %c0_i32, %c0_i32_0 : i32, i32
  }
  func.func @transform_1(%arg0: i32) -> (i32, i32) {
    %c0_i32 = arith.constant 0 : i32
    %c0_i32_0 = arith.constant 0 : i32
    %c0_i32_1 = arith.constant 0 : i32
    return %c0_i32, %c0_i32_0 : i32, i32
  }
  func.func @transform_2(%arg0: i32) -> (i32, i32) {
    %c0_i32 = arith.constant 0 : i32
    %c0_i32_0 = arith.constant 0 : i32
    %c0_i32_1 = arith.constant 0 : i32
    return %c0_i32, %c0_i32_0 : i32, i32
  }
  func.func @transform_3(%arg0: i32) -> (i32, i32) {
    %c1_i32 = arith.constant 1 : i32
    %c0_i32 = arith.constant 0 : i32
    %c0_i32_0 = arith.constant 0 : i32
    return %c1_i32, %c0_i32 : i32, i32
  }
  func.func @transform_4(%arg0: i32) -> (i32, i32) {
    %add3A = arith.constant 1 : i32
    %add3A_0 = arith.addi %add3A, %arg0 : i32
    %c0_i32 = arith.constant 0 : i32
    %c0_i32_1 = arith.constant 0 : i32
    return %add3A_0, %c0_i32 : i32, i32
  }
  func.func @transform_5(%arg0: i32) -> (i32, i32) {
    %c0_i32 = arith.constant 0 : i32
    %c0_i32_0 = arith.constant 0 : i32
    %c0_i32_1 = arith.constant 0 : i32
    return %c0_i32, %c0_i32_0 : i32, i32
  }
}

module attributes {stable_mosaic.version = 14 : i64} {
  func.func @_tail_body(%arg0: i32, %arg1: memref<1x2xf32, #tpu.memory_space<vmem>>, %arg2: memref<1x1xf32, #tpu.memory_space<vmem>>, %arg3: memref<2048x128xf32, #tpu.memory_space<vmem>>, %arg4: memref<2048x128xf32, #tpu.memory_space<vmem>>, %arg5: memref<4096x128xf32, #tpu.memory_space<vmem>>, %arg6: memref<1x1xf32, #tpu.memory_space<vmem>>, %arg7: memref<2048x1xf32, #tpu.memory_space<vmem>>, %arg8: memref<2048x128xbf16, #tpu.memory_space<vmem>>) attributes {dimension_semantics = [#tpu.dimension_semantics<arbitrary>], iteration_bounds = array<i64: 5>, scalar_prefetch = 0 : i64, scratch_operands = 2 : i64, tpu.core_type = #tpu.core_type<tc>, window_params = [{pipeline_mode = #tpu.pipeline_mode<synchronous>, transform_indices = @transform_0, window_bounds = array<i64: 1, 2>}, {pipeline_mode = #tpu.pipeline_mode<synchronous>, transform_indices = @transform_1, window_bounds = array<i64: 1, 1>}, {transform_indices = @transform_2, window_bounds = array<i64: 2048, 128>}, {transform_indices = @transform_3, window_bounds = array<i64: 2048, 128>}, {transform_indices = @transform_4, window_bounds = array<i64: 4096, 128>}, {pipeline_mode = #tpu.pipeline_mode<synchronous>, transform_indices = @transform_5, window_bounds = array<i64: 1, 1>}]} {
    %eq3A = arith.constant 0 : i32
    %eq3A_0 = arith.cmpi eq, %arg0, %eq3A : i32
    %convert_element_type3A = arith.extui %eq3A_0 : i1 to i32
    %cond3A = arith.constant 0 : i32
    %cond3A_1 = arith.cmpi ne, %convert_element_type3A, %cond3A : i32
    scf.if %cond3A_1 {
      %get3A_33 = arith.constant 0 : index
      %get3A_34 = arith.constant 0 : index
      %get3A_35 = vector.load %arg3[%get3A_33, %get3A_34] : memref<2048x128xf32, #tpu.memory_space<vmem>>, vector<2048x128xf32>
      %mul3A_36 = arith.mulf %get3A_35, %get3A_35 : vector<2048x128xf32>
      %reduce_sum3A_37 = arith.constant dense<0.000000e+00> : vector<2048xf32>
      %reduce_sum3A_38 = vector.multi_reduction <add>, %mul3A_36, %reduce_sum3A_37 [1] : vector<2048x128xf32> to vector<2048xf32>
      %broadcast_in_dim3A_39 = vector.shape_cast %reduce_sum3A_38 : vector<2048xf32> to vector<2048x1xf32>
      %max3A_40 = arith.constant 1.000000e-24 : f32
      %max3A_41 = vector.broadcast %max3A_40 : f32 to vector<2048x1xf32>
      %max3A_42 = arith.maximumf %broadcast_in_dim3A_39, %max3A_41 : vector<2048x1xf32>
      %rsqrt3A_43 = math.rsqrt %max3A_42 : vector<2048x1xf32>
      %mul3A_44 = vector.broadcast %rsqrt3A_43 : vector<2048x1xf32> to vector<2048x128xf32>
      %mul3A_45 = arith.mulf %get3A_35, %mul3A_44 : vector<2048x128xf32>
      %mul3A_46 = arith.constant 2.885390e+00 : f32
      %mul3A_47 = vector.broadcast %mul3A_46 : f32 to vector<2048x128xf32>
      %mul3A_48 = arith.mulf %mul3A_45, %mul3A_47 : vector<2048x128xf32>
      %convert_element_type3A_49 = arith.truncf %mul3A_48 : vector<2048x128xf32> to vector<2048x128xbf16>
      %swap3A = arith.constant 0 : index
      %swap3A_50 = arith.constant 0 : index
      %swap3A_51 = vector.load %arg8[%swap3A, %swap3A_50] : memref<2048x128xbf16, #tpu.memory_space<vmem>>, vector<2048x128xbf16>
      tpu.vector_store %arg8[%swap3A, %swap3A_50], %convert_element_type3A_49 {strides = array<i32>} : memref<2048x128xbf16, #tpu.memory_space<vmem>>, vector<2048x128xbf16>,
    } else {
    }
    %get3A = arith.constant 0 : index
    %get3A_2 = arith.constant 0 : index
    %get3A_3 = vector.load %arg5[%get3A, %get3A_2] : memref<4096x128xf32, #tpu.memory_space<vmem>>, vector<4096x128xf32>
    %mul3A = arith.mulf %get3A_3, %get3A_3 : vector<4096x128xf32>
    %reduce_sum3A = arith.constant dense<0.000000e+00> : vector<4096xf32>
    %reduce_sum3A_4 = vector.multi_reduction <add>, %mul3A, %reduce_sum3A [1] : vector<4096x128xf32> to vector<4096xf32>
    %broadcast_in_dim3A = vector.shape_cast %reduce_sum3A_4 : vector<4096xf32> to vector<4096x1xf32>
    %max3A = arith.constant 1.000000e-24 : f32
    %max3A_5 = vector.broadcast %max3A : f32 to vector<4096x1xf32>
    %max3A_6 = arith.maximumf %broadcast_in_dim3A, %max3A_5 : vector<4096x1xf32>
    %rsqrt3A = math.rsqrt %max3A_6 : vector<4096x1xf32>
    %mul3A_7 = vector.broadcast %rsqrt3A : vector<4096x1xf32> to vector<4096x128xf32>
    %mul3A_8 = arith.mulf %get3A_3, %mul3A_7 : vector<4096x128xf32>
    %get3A_9 = arith.constant 0 : index
    %get3A_10 = arith.constant 0 : index
    %get3A_11 = vector.load %arg8[%get3A_9, %get3A_10] : memref<2048x128xbf16, #tpu.memory_space<vmem>>, vector<2048x128xbf16>
    %convert_element_type3A_12 = arith.truncf %mul3A_8 : vector<4096x128xf32> to vector<4096x128xbf16>
    %dot_general3A = arith.constant dense<0.000000e+00> : vector<2048x4096xf32>
    %dot_general3A_13 = tpu.matmul %get3A_11, %convert_element_type3A_12, %dot_general3A {dimension_numbers = #tpu.dot_dimension_numbers<[1], [1], [0], [0], [0, 0, 1, 0], [], []>, transpose_lhs_hint = false} : vector<2048x128xbf16>, vector<4096x128xbf16>, vector<2048x4096xf32> -> vector<2048x4096xf32>
    %convert_element_type3A_14 = arith.truncf %dot_general3A_13 : vector<2048x4096xf32> to vector<2048x4096xbf16>
    %exp23A = math.exp2 %convert_element_type3A_14 : vector<2048x4096xbf16>
    %convert_element_type3A_15 = arith.extf %exp23A : vector<2048x4096xbf16> to vector<2048x4096xf32>
    %reduce_sum3A_16 = arith.constant dense<0.000000e+00> : vector<2048xf32>
    %reduce_sum3A_17 = vector.multi_reduction <add>, %convert_element_type3A_15, %reduce_sum3A_16 [1] : vector<2048x4096xf32> to vector<2048xf32>
    %broadcast_in_dim3A_18 = vector.shape_cast %reduce_sum3A_17 : vector<2048xf32> to vector<2048x1xf32>
    %eq3A_19 = arith.constant 0 : i32
    %eq3A_20 = arith.cmpi eq, %arg0, %eq3A_19 : i32
    %convert_element_type3A_21 = arith.extui %eq3A_20 : i1 to i32
    %cond3A_22 = arith.constant 0 : i32
    %cond3A_23 = arith.cmpi ne, %convert_element_type3A_21, %cond3A_22 : i32
    scf.if %cond3A_23 {
      %swap3A = arith.constant 0 : index
      %swap3A_33 = arith.constant 0 : index
      %swap3A_34 = vector.load %arg7[%swap3A, %swap3A_33] : memref<2048x1xf32, #tpu.memory_space<vmem>>, vector<2048x1xf32>
      tpu.vector_store %arg7[%swap3A, %swap3A_33], %broadcast_in_dim3A_18 {strides = array<i32>} : memref<2048x1xf32, #tpu.memory_space<vmem>>, vector<2048x1xf32>,
    } else {
    }
    %gt3A = arith.constant 0 : i32
    %gt3A_24 = arith.cmpi sgt, %arg0, %gt3A : i32
    %convert_element_type3A_25 = arith.extui %gt3A_24 : i1 to i32
    %cond3A_26 = arith.constant 0 : i32
    %cond3A_27 = arith.cmpi ne, %convert_element_type3A_25, %cond3A_26 : i32
    scf.if %cond3A_27 {
      %get3A_33 = arith.constant 0 : index
      %get3A_34 = arith.constant 0 : index
      %get3A_35 = vector.load %arg7[%get3A_33, %get3A_34] : memref<2048x1xf32, #tpu.memory_space<vmem>>, vector<2048x1xf32>
      %add3A = arith.addf %get3A_35, %broadcast_in_dim3A_18 : vector<2048x1xf32>
      %swap3A = arith.constant 0 : index
      %swap3A_36 = arith.constant 0 : index
      %swap3A_37 = vector.load %arg7[%swap3A, %swap3A_36] : memref<2048x1xf32, #tpu.memory_space<vmem>>, vector<2048x1xf32>
      tpu.vector_store %arg7[%swap3A, %swap3A_36], %add3A {strides = array<i32>} : memref<2048x1xf32, #tpu.memory_space<vmem>>, vector<2048x1xf32>,
    } else {
    }
    %eq3A_28 = arith.constant 4 : i32
    %eq3A_29 = arith.cmpi eq, %arg0, %eq3A_28 : i32
    %convert_element_type3A_30 = arith.extui %eq3A_29 : i1 to i32
    %cond3A_31 = arith.constant 0 : i32
    %cond3A_32 = arith.cmpi ne, %convert_element_type3A_30, %cond3A_31 : i32
    scf.if %cond3A_32 {
      %get3A_33 = arith.constant 0 : index
      %get3A_34 = arith.constant 0 : index
      %get3A_35 = vector.load %arg3[%get3A_33, %get3A_34] : memref<2048x128xf32, #tpu.memory_space<vmem>>, vector<2048x128xf32>
      %mul3A_36 = arith.mulf %get3A_35, %get3A_35 : vector<2048x128xf32>
      %reduce_sum3A_37 = arith.constant dense<0.000000e+00> : vector<2048xf32>
      %reduce_sum3A_38 = vector.multi_reduction <add>, %mul3A_36, %reduce_sum3A_37 [1] : vector<2048x128xf32> to vector<2048xf32>
      %broadcast_in_dim3A_39 = vector.shape_cast %reduce_sum3A_38 : vector<2048xf32> to vector<2048x1xf32>
      %max3A_40 = arith.constant 1.000000e-24 : f32
      %max3A_41 = vector.broadcast %max3A_40 : f32 to vector<2048x1xf32>
      %max3A_42 = arith.maximumf %broadcast_in_dim3A_39, %max3A_41 : vector<2048x1xf32>
      %rsqrt3A_43 = math.rsqrt %max3A_42 : vector<2048x1xf32>
      %mul3A_44 = vector.broadcast %rsqrt3A_43 : vector<2048x1xf32> to vector<2048x128xf32>
      %mul3A_45 = arith.mulf %get3A_35, %mul3A_44 : vector<2048x128xf32>
      %get3A_46 = arith.constant 0 : index
      %get3A_47 = arith.constant 0 : index
      %get3A_48 = vector.load %arg4[%get3A_46, %get3A_47] : memref<2048x128xf32, #tpu.memory_space<vmem>>, vector<2048x128xf32>
      %mul3A_49 = arith.mulf %get3A_48, %get3A_48 : vector<2048x128xf32>
      %reduce_sum3A_50 = arith.constant dense<0.000000e+00> : vector<2048xf32>
      %reduce_sum3A_51 = vector.multi_reduction <add>, %mul3A_49, %reduce_sum3A_50 [1] : vector<2048x128xf32> to vector<2048xf32>
      %broadcast_in_dim3A_52 = vector.shape_cast %reduce_sum3A_51 : vector<2048xf32> to vector<2048x1xf32>
      %max3A_53 = arith.constant 1.000000e-24 : f32
      %max3A_54 = vector.broadcast %max3A_53 : f32 to vector<2048x1xf32>
      %max3A_55 = arith.maximumf %broadcast_in_dim3A_52, %max3A_54 : vector<2048x1xf32>
      %rsqrt3A_56 = math.rsqrt %max3A_55 : vector<2048x1xf32>
      %mul3A_57 = vector.broadcast %rsqrt3A_56 : vector<2048x1xf32> to vector<2048x128xf32>
      %mul3A_58 = arith.mulf %get3A_48, %mul3A_57 : vector<2048x128xf32>
      %mul3A_59 = arith.mulf %mul3A_45, %mul3A_58 : vector<2048x128xf32>
      %reduce_sum3A_60 = arith.constant dense<0.000000e+00> : vector<2048xf32>
      %reduce_sum3A_61 = vector.multi_reduction <add>, %mul3A_59, %reduce_sum3A_60 [1] : vector<2048x128xf32> to vector<2048xf32>
      %broadcast_in_dim3A_62 = vector.shape_cast %reduce_sum3A_61 : vector<2048xf32> to vector<2048x1xf32>
      %mul3A_63 = arith.constant 2.000000e+00 : f32
      %mul3A_64 = vector.broadcast %mul3A_63 : f32 to vector<2048x1xf32>
      %mul3A_65 = arith.mulf %broadcast_in_dim3A_62, %mul3A_64 : vector<2048x1xf32>
      %get3A_66 = arith.constant 0 : index
      %get3A_67 = arith.constant 0 : index
      %get3A_68 = vector.load %arg7[%get3A_66, %get3A_67] : memref<2048x1xf32, #tpu.memory_space<vmem>>, vector<2048x1xf32>
      %exp3A = math.exp %mul3A_65 : vector<2048x1xf32>
      %add3A = arith.addf %get3A_68, %exp3A : vector<2048x1xf32>
      %log3A = math.log %add3A : vector<2048x1xf32>
      %sub3A = arith.subf %log3A, %mul3A_65 : vector<2048x1xf32>
      %reduce_sum3A_69 = vector.shape_cast %sub3A : vector<2048x1xf32> to vector<1x2048x1xf32>
      %reduce_sum3A_70 = arith.constant dense<0.000000e+00> : vector<1xf32>
      %reduce_sum3A_71 = vector.multi_reduction <add>, %reduce_sum3A_69, %reduce_sum3A_70 [1, 2] : vector<1x2048x1xf32> to vector<1xf32>
      %reduce_sum3A_72 = vector.shape_cast %reduce_sum3A_71 : vector<1xf32> to vector<1x1x1xf32>
      %reduce_sum3A_73 = vector.extract %reduce_sum3A_72[0, 0, 0] : f32 from vector<1x1x1xf32>
      %div3A = arith.constant 2.048000e+03 : f32
      %div3A_74 = arith.divf %reduce_sum3A_73, %div3A : f32
      %get3A_75 = arith.constant 0 : index
      %get3A_76 = arith.constant 1 : index
      %get3A_77 = vector.load %arg1[%get3A_75, %get3A_76] : memref<1x2xf32, #tpu.memory_space<vmem>>, vector<1x1xf32>
      %get3A_78 = vector.extract %get3A_77[0, 0] : f32 from vector<1x1xf32>
      %mul3A_79 = arith.constant 2.000000e+00 : f32
      %mul3A_80 = arith.mulf %mul3A_79, %get3A_78 : f32
      %mul3A_81 = arith.mulf %mul3A_80, %get3A_78 : f32
      %div3A_82 = arith.divf %div3A_74, %mul3A_81 : f32
      %log3A_83 = math.log %get3A_78 : f32
      %add3A_84 = arith.addf %div3A_82, %log3A_83 : f32
      %get3A_85 = arith.constant 0 : index
      %get3A_86 = arith.constant 0 : index
      %get3A_87 = vector.load %arg2[%get3A_85, %get3A_86] : memref<1x1xf32, #tpu.memory_space<vmem>>, vector<1x1xf32>
      %reshape3A = vector.broadcast %add3A_84 : f32 to vector<1x1xf32>
      %add3A_88 = arith.addf %get3A_87, %reshape3A : vector<1x1xf32>
      %swap3A = arith.constant 0 : index
      %swap3A_89 = arith.constant 0 : index
      %swap3A_90 = vector.load %arg6[%swap3A, %swap3A_89] : memref<1x1xf32, #tpu.memory_space<vmem>>, vector<1x1xf32>
      tpu.vector_store %arg6[%swap3A, %swap3A_89], %add3A_88 {strides = array<i32>} : memref<1x1xf32, #tpu.memory_space<vmem>>, vector<1x1xf32>,
    } else {
    }
    return
  }
  func.func @transform_0(%arg0: i32) -> (i32, i32) {
    %c0_i32 = arith.constant 0 : i32
    %c0_i32_0 = arith.constant 0 : i32
    %c0_i32_1 = arith.constant 0 : i32
    return %c0_i32, %c0_i32_0 : i32, i32
  }
  func.func @transform_1(%arg0: i32) -> (i32, i32) {
    %c0_i32 = arith.constant 0 : i32
    %c0_i32_0 = arith.constant 0 : i32
    %c0_i32_1 = arith.constant 0 : i32
    return %c0_i32, %c0_i32_0 : i32, i32
  }
  func.func @transform_2(%arg0: i32) -> (i32, i32) {
    %c0_i32 = arith.constant 0 : i32
    %c0_i32_0 = arith.constant 0 : i32
    %c0_i32_1 = arith.constant 0 : i32
    return %c0_i32, %c0_i32_0 : i32, i32
  }
  func.func @transform_3(%arg0: i32) -> (i32, i32) {
    %c1_i32 = arith.constant 1 : i32
    %c0_i32 = arith.constant 0 : i32
    %c0_i32_0 = arith.constant 0 : i32
    return %c1_i32, %c0_i32 : i32, i32
  }
  func.func @transform_4(%arg0: i32) -> (i32, i32) {
    %add3A = arith.constant 1 : i32
    %add3A_0 = arith.addi %add3A, %arg0 : i32
    %c0_i32 = arith.constant 0 : i32
    %c0_i32_1 = arith.constant 0 : i32
    return %add3A_0, %c0_i32 : i32, i32
  }
  func.func @transform_5(%arg0: i32) -> (i32, i32) {
    %c0_i32 = arith.constant 0 : i32
    %c0_i32_0 = arith.constant 0 : i32
    %c0_i32_1 = arith.constant 0 : i32
    return %c0_i32, %c0_i32_0 : i32, i32
  }
}

</mosaic_0001>

<sc_bundles>
// kernel: kernel.6.cloned.1.call-start
scs
__scs_entry_jumppad:
0x0: {  	(pc) =	sbr.rel $0x88, $3  }
0x1: {  	(tag) =	ssettag $0x0;
	lr =	simm.s32 $0x1  }
0x2: {  	[smem:$0x3F99] =	sst lr;
	_ =	strace $0xD0000000  }
0x3: {  	_ = 	snop  }
0x4: {  	_ = 	snop  }
0x5: {  	_ = 	snop  }
0x6: {  	_ = 	snop  }
0x7: {  	_ = 	snop  }
__scs_overlays_trampoline_lowered:
0x8: {  	[smem:$0x3FA8] =	sst s0  }
0x9: {  	[smem:$0x3FA9] =	sst s1  }
0xa: {  	[smem:$0x3FAA] =	sst s2  }
0xb: {  	[smem:$0x3FAB] =	sst s3  }
0xc: {  	[smem:$0x3FAC] =	sst s4  }
0xd: {  	[smem:$0x3FAD] =	sst s5  }
0xe: {  	[smem:$0x3FAE] =	sst s6  }
0xf: {  	[smem:$0x3FAF] =	sst s7  }
0x10: {  	[smem:$0x3FB0] =	sst s8  }
0x11: {  	[smem:$0x3FB1] =	sst s9;
	s0 =	simm.s32 @!p0 $0x0  }
0x12: {  	s1 =	sld [smem:$0x3F97];
	s0 =	simm.s32 @p0 $0x1  }
0x13: {  	[smem:$0x3FB2] =	sst s0;
	s0 =	simm.s32 @!p1 $0x0  }
0x14: {  	s2 =	sld [smem:$0x3F96];
	s0 =	simm.s32 @p1 $0x1  }
0x15: {  	[smem:$0x3FB3] =	sst s0;
	s0 =	simm.s32 @!p2 $0x0  }
0x16: {  	s3 =	sld [smem:$0x3FDB];
	s0 =	simm.s32 @p2 $0x1  }
0x17: {  	s4 =	simm.s32 $0x1BF5;
	[smem:$0x3FB5] =	sst s0  }
0x18: {  	s0 =	sld [smem:$0x3F98];
	_ =	swait.ge [sflag:s4], $0x0  }
0x19: {  	s7 =	sld [smem:$0x3F99]  }
0x1a: {  	s8 =	sadd.s32 $0xFFFFE003, lr  }
0x1b: {  	s9 =	sadd.s32 $0xFFFFFEF7, lr;
	s5 =	simm.s32 $0xFFFFFFFF;
	p2 =	slt.u32 s8, $0xFFFFF086  }
0x1c: {  	p1 =	slt.u32 s9, $0xF7A;
	s5 =	simm.s32 @!p2 $0x0  }
0x1d: {  	s5 =	simm.s32 @p1 $0x1;
	p0 =	seq.s32 s7, s2  }
0x1e: {  	s7 =	smul.u32 @!p0 $0xF7A, s2;
	p2 =	seq.s32 @!p0 s5, $0x0  }
0x1f: {  	s9 =	smul.u32 $0xF7A, s1;
	s8 =	simm.s32 @!p0 $0x1BF5;
	p2 =	por !p2, p0  }
0x20: {  	[sflag:s8] =	ssyncset.s32 @!p0 $0xFFFFF086;
	s6 =	sadd.s32 @!p0 s3, s7;
	s7 =	simm.s32 @!p0 $0x108  }
0x21: {  	s3 =	sadd.s32 s3, s9;
	s6 =	sadd.s32 @!p0 $0x88, s6;
	s7 =	simm.s32 @p2 $0x1082  }
0x22: {  	[simem:s7], [sflag:s8] =	dma.local @!p0 [hbm:s6], $0xF7A  }
0x23: {  	s9 =	sor.u32 $0xD0000000, s2;
	s6 =	simm.s32 $0x108;
	_ =	swait.ge @!p0 [sflag:s8], $0x0  }
0x24: {  	s3 =	sadd.s32 $0x88, s3;
	s6 =	simm.s32 @!p1 $0x1082;
	[sflag:s4] =	ssyncset.s32 $0xFFFFF086  }
0x25: {  	[simem:s6], [sflag:s4] =	dma.local [hbm:s3], $0xF7A  }
0x26: {  	[smem:$0x3F99] =	sst s1;
	(tag) =	ssettag s2;
	_ =	strace s9  }
0x27: {  	s1 =	sld [smem:$0x3FA9]  }
0x28: {  	s2 =	sld [smem:$0x3FAA]  }
0x29: {  	s4 =	sld [smem:$0x3FAC]  }
0x2a: {  	p0 =	seq.s32 s5, $0x0;
	s5 =	sld [smem:$0x3FAD]  }
0x2b: {  	s6 =	sld [smem:$0x3FAE]  }
0x2c: {  	s7 =	sld [smem:$0x3FAF]  }
0x2d: {  	s3 =	simm.s32 $0x108;
	s8 =	sld [smem:$0x3FB0]  }
0x2e: {  	s3 =	simm.s32 @!p0 $0x1082;
	s9 =	sld [smem:$0x3FB1]  }
0x2f: {  	lr =	sadd.s32 s0, s3;
	s0 =	sld [smem:$0x3FA8]  }
0x30: {  	s3 =	sld [smem:$0x3FAB]  }
0x31: {  	[smem:$0x3FB4] =	sst s10  }
0x32: {  	s10 =	sld [smem:$0x3FB2];
	_ =	sdelay $0x3  }
0x33: {  	p0 =	seq.s32 s10, $0x1;
	s10 =	sld [smem:$0x3FB4];
	_ =	sdelay $0x3  }
0x34: {  	[smem:$0x3FB4] =	sst s10  }
0x35: {  	s10 =	sld [smem:$0x3FB3];
	_ =	sdelay $0x3  }
0x36: {  	p1 =	seq.s32 s10, $0x1;
	s10 =	sld [smem:$0x3FB4];
	_ =	sdelay $0x3  }
0x37: {  	[smem:$0x3FB4] =	sst s10  }
0x38: {  	s10 =	sld [smem:$0x3FB5]  }
0x39: {  	_ = 	snop;
	(pc) =	sbr.ind lr, $3  }
0x3a: {  	_ = 	snop  }
0x3b: {  	_ = 	snop  }
0x3c: {  	p2 =	seq.s32 s10, $0x1;
	s10 =	sld [smem:$0x3FB4]  }
0x3d: {  	_ =	shalt  }
0x3e: {  	_ =	shalt  }
0x3f: {  	_ =	shalt  }
0x40: {  	_ =	shalt  }
0x41: {  	_ =	shalt  }
0x42: {  	_ =	shalt  }
0x43: {  	_ =	shalt  }
0x44: {  	_ =	shalt  }
0x45: {  	_ =	shalt  }
0x46: {  	_ =	shalt  }
0x47: {  	_ =	shalt  }
0x48: {  	_ =	shalt  }
0x49: {  	_ =	shalt  }
0x4a: {  	_ =	shalt  }
0x4b: {  	_ =	shalt  }
0x4c: {  	_ =	shalt  }
0x4d: {  	_ =	shalt  }
0x4e: {  	_ =	shalt  }
0x4f: {  	_ =	shalt  }
0x50: {  	_ =	shalt  }
0x51: {  	_ =	shalt  }
0x52: {  	_ =	shalt  }
0x53: {  	_ =	shalt  }
0x54: {  	_ =	shalt  }
0x55: {  	_ =	shalt  }
0x56: {  	_ =	shalt  }
0x57: {  	_ =	shalt  }
0x58: {  	_ =	shalt  }
0x59: {  	_ =	shalt  }
0x5a: {  	_ =	shalt  }
0x5b: {  	_ =	shalt  }
0x5c: {  	_ =	shalt  }
0x5d: {  	_ =	shalt  }
0x5e: {  	_ =	shalt  }
0x5f: {  	_ =	shalt  }
0x60: {  	_ =	shalt  }
0x61: {  	_ =	shalt  }
0x62: {  	_ =	shalt  }
0x63: {  	_ =	shalt  }
0x64: {  	_ =	shalt  }
0x65: {  	_ =	shalt  }
0x66: {  	_ =	shalt  }
0x67: {  	_ =	shalt  }
0x68: {  	_ =	shalt  }
0x69: {  	_ =	shalt  }
0x6a: {  	_ =	shalt  }
0x6b: {  	_ =	shalt  }
0x6c: {  	_ =	shalt  }
0x6d: {  	_ =	shalt  }
0x6e: {  	_ =	shalt  }
0x6f: {  	_ =	shalt  }
0x70: {  	_ =	shalt  }
0x71: {  	_ =	shalt  }
0x72: {  	_ =	shalt  }
0x73: {  	_ =	shalt  }
0x74: {  	_ =	shalt  }
0x75: {  	_ =	shalt  }
0x76: {  	_ =	shalt  }
0x77: {  	_ =	shalt  }
0x78: {  	_ =	shalt  }
0x79: {  	_ =	shalt  }
0x7a: {  	_ =	shalt  }
0x7b: {  	_ =	shalt  }
0x7c: {  	_ =	shalt  }
0x7d: {  	_ =	shalt  }
0x7e: {  	_ =	shalt  }
0x7f: {  	_ =	shalt  }
0x80: {  	_ =	shalt  }
0x81: {  	_ =	shalt  }
0x82: {  	_ =	shalt  }
0x83: {  	_ =	shalt  }
0x84: {  	_ =	shalt  }
0x85: {  	_ =	shalt  }
0x86: {  	_ =	shalt  }
0x87: {  	_ =	shalt  }
.Lfunc_end0:
.L_simem_size_0:
called_computation_lowered:
.L_overlay_start_0:
0x88: {  	s2 =	sld [smem:$0x3FD9]  }
0x89: {  	s3 =	sld [smem:$0x3FFE];
	_ =	sdelay $0x1  }
0x8a: {  	s1 =	srdreg.scid  }
0x8b: {  	s0 =	sand.u32 $0x1, s1  }
0x8c: {  	s17 =	sshll.u32 s0, $0xA;
	s2 =	sadd.s32 s3, s2  }
0x8d: {  	s2 =	sadd.s32 s2, s17  }
0x8e: {  	[smem:$0x3FC0] =	sst s2  }
0x8f: {  	_ = 	snop  }
0x90: {  	s2 =	sld [smem:$0x3FC9];
	(tm) =	ssettm $0x1  }
0x91: {  	s18 =	sld [smem:$0x3FFB];
	_ =	sdelay $0x3  }
0x92: {  	_ =	strace s18  }
0x93: {  	s3 =	sld [smem:$0x3FFC];
	_ =	sdelay $0x3  }
0x94: {  	_ =	strace s3  }
0x95: {  	s3 =	sld [smem:$0x3FFD];
	_ =	sdelay $0x3  }
0x96: {  	_ =	strace s3  }
0x97: {  	_ =	strace $0x8FFFFFFF  }
0x98: {  	s19 =	sld [smem:$0x3FDB];
	_ =	sdelay $0x1  }
0x99: {  	s4 =	simm.s32 $_scs_section_size  }
0x9a: {  	s5 =	simm.s32 $_size__tile_overlayer_lowered;
	s6 =	simm.s32 $_tile_overlayer_lowered  }
0x9b: {  	s22 =	simm.s32 $0x1BFF;
	s21 =	sshll.u32 s6, $0x1;
	s3 =	sadd.s32 s4, s19  }
0x9c: {  	s7 =	simm.s32 $0x0;
	s20 =	sshll.u32 s5, $0x1;
	s5 =	sadd.s32 s21, s3  }
0x9d: {  	[timem:s7], [sflag:s22] =	dma.local [hbm:s5], s20  }
0x9e: {  	_ =	swait.ge [sflag:s22], s20  }
0x9f: {  	s4 =	ssub.s32 $0x0, s20;
	[sflag:s22] =	ssyncset.done $0x0  }
0xa0: {  	[sflag:s22] =	ssyncadd.s32 s4;
	_ =	sdelay $0x1  }
0xa1: {  	s23 =	simm.s32 $0x1B8B  }
0xa2: {  	_ =	swait.ge [sflag:s23], $0x1  }
0xa3: {  	[sflag:s23] =	ssyncset.done $0x0  }
0xa4: {  	s25 =	simm.s32 $0x1B8E;
	s24 =	sld [smem:$0x3FFE];
	[sflag:s23] =	ssyncadd.s32 $0xFFFFFFFF  }
0xa5: {  	s26 =	simm.s32 $execute0_lowered;
	[smem:$0x3FD2] =	sst s25  }
0xa6: {  	s5 =	sshll.u32 s26, $0x1;
	_ =	strace $0x80000046;
	[dreg:$0x1] =	wrdreg $0xFFFFFFFF  }
0xa7: {  	s28 =	simm.s32 $_size_execute0_lowered;
	s3 =	sadd.s32 s3, s5;
	[dreg:$0x0] =	wrdreg $0x0  }
0xa8: {  	s5 =	sshll.u32 s28, $0x1;
	[dreg:$0x2] =	wrdreg s3  }
0xa9: {  	[dreg:$0x3] =	wrdreg s5  }
0xaa: {  	[dreg:$0x4] =	wrdreg $0xC0  }
0xab: {  	_ =	task [dreg:s7], $0x5FFFF  }
0xac: {  	[dreg:$0x1] =	wrdreg $0xFFFFFFFF  }
0xad: {  	[dreg:$0x0] =	wrdreg $0x60  }
0xae: {  	[dreg:$0x2] =	wrdreg s2  }
0xaf: {  	[dreg:$0x3] =	wrdreg s24  }
0xb0: {  	[dreg:$0x4] =	wrdreg $0x9  }
0xb1: {  	_ =	task.clear_ibuf [dreg:s7], $0x5FFFF;
	_ =	strace $0x90000046  }
0xb2: {  	s29 =	simm.s32 $0x9;
	_ =	strace $0x80000048  }
0xb3: {  	_ =	swait.ge [sflag:s29], $0x1  }
0xb4: {  	[sflag:s29] =	ssyncadd.s32 $0xFFFFFFFF  }
0xb5: {  	_ =	strace $0x90000048  }
0xb6: {  	_ =	sfence  }
0xb7: {  	s30 =	sld [smem:$0x0];
	_ =	sdelay $0x2  }
0xb8: {  	s31 =	sshll.u32 s1, $0xD;
	s1 =	sshrl.u32 s1, $0x2  }
0xb9: {  	s3 =	sand.u32 $0x4000, s31;
	s1 =	sadd.s32 s1, s30  }
0xba: {  	s0 =	sor.u32 s3, s0;
	s1 =	sshll.u32 s1, $0x11  }
0xbb: {  	s0 =	sor.u32 s1, s0  }
0xbc: {  	s0 =	sadd.s32 $0x8F2B, s0  }
0xbd: {  	[sflag:s0] =	ssyncadd.remote.s32 $0x1  }
0xbe: {  	_ =	sfence.sel $0xFFFF  }
0xbf: {  	[dreg:$0x0] =	wrdreg $0xFFFFFFFF;
	(pc) =	sbr.abs _section_cstart, $3  }
0xc0: {  	[dreg:$0x1] =	wrdreg $0xFFFFFFFF  }
0xc1: {  	_ =	task.clear_ibuf [dreg:s7], $0x2FFFF;
	_ =	strace $0x9FFFFFFF  }
0xc2: {  	(tm) =	ssettm $0x7FFFFFFF  }
0xc3: {  	_ =	shalt  }
tec
execute0_lowered:
.L_overlay_start_1:
0x0: {  	(tag) =	ssettag $0x1  }
0x1: {  	s1 =	srdreg.scid;
	s0 =	stileid.u32  }
0x2: {  	s2 =	rddreg [dreg:$0x0];
	s20 =	sand.u32 $0x1, s1;
	s30 =	sshll.u32 s0, $0x1  }
0x3: {  	s10 =	rddreg [dreg:$0x1];
	s14 =	sor.u32 s20, s30  }
0x4: {  	s3 =	simm.s32 $0x0;
	s1 =	rddreg [dreg:$0x2];
	s4 =	sshll.u32 s14, $0x7  }
0x5: {  	[smem:$0x7FF] =	sst s3;
	s4 =	sadd.s32 s4, s10  }
0x6: {  	_ =	strace $0x80000047;
	s5 =	sadd.s32 $0x1400, s4;
	s4 =	simm.s32 $0x3  }
0x7: {  	[tilespmem:s3], [sflag:$0x3] =	stream.linear.gather [hbm4b:s5+s3], $0x300, $0x38;
	[tilespmem:$0x8400] =	vst v63  }
0x8: {  	_ =	swait.ge [sflag:s4], $0x300  }
0x9: {  	[sflag:s4] =	ssyncset.done $0x0  }
0xa: {  	s6 =	simm.s32 $0x80;
	s7 =	simm.s32 $0x400;
	[sflag:s4] =	ssyncadd.s32 $0xFFFFFD00  }
0xb: {  	[tilespmem:s7], [sflag:$0x1] =	stream.indirect.gather [hbm4b:s2+s6], $0x80, s3, s6, $0xb8;
	[tilespmem:$0x8400] =	vst v63  }
0xc: {  	s8 =	simm.s32 $0x4400;
	s9 =	simm.s32 $0x1  }
0xd: {  	[tilespmem:s8], [sflag:$0x2] =	stream.indirect.gather [hbm4b:s2+s6], $0x80, s6, s6, $0xb8;
	[tilespmem:$0x8400] =	vst v63  }
0xe: {  	s11 =	smul.u32 $0x3000, s14;
	_ =	swait.ge [sflag:s9], $0x4000  }
0xf: {  	s15 =	sadd.s32 $0x2400, s10;
	[sflag:s9] =	ssyncset.done $0x0  }
0x10: {  	s10 =	sadd.s32 s15, s11;
	[sflag:s9] =	ssyncadd.s32 $0xFFFFC000  }
0x11: {  	[hbm4b:s10+s3] =	stream.linear.scatter [tilespmem:s7], [sflag:$0x3], $0x4000, $0x38;
	[tilespmem:$0x8400] =	vst v63  }
0x12: {  	_ =	swait.ge [sflag:s4], $0x4000  }
0x13: {  	[sflag:s4] =	ssyncset.done $0x0  }
0x14: {  	s12 =	simm.s32 $0x2;
	s11 =	simm.s32 $0x100;
	[sflag:s4] =	ssyncadd.s32 $0xFFFFC000  }
0x15: {  	[tilespmem:s7], [sflag:$0x1] =	stream.indirect.gather [hbm4b:s2+s6], $0x80, s11, s6, $0xb8;
	[tilespmem:$0x8400] =	vst v63  }
0x16: {  	_ =	swait.ge [sflag:s12], $0x4000  }
0x17: {  	[sflag:s12] =	ssyncset.done $0x0  }
0x18: {  	s13 =	sadd.s32 $0x800, s10;
	[sflag:s12] =	ssyncadd.s32 $0xFFFFC000  }
0x19: {  	[hbm4b:s13+s3] =	stream.linear.scatter [tilespmem:s8], [sflag:$0x3], $0x4000, $0x38;
	[tilespmem:$0x8400] =	vst v63  }
0x1a: {  	_ =	swait.ge [sflag:s4], $0x4000  }
0x1b: {  	[sflag:s4] =	ssyncset.done $0x0  }
0x1c: {  	s16 =	smul.u32 $0x18000, s14;
	s14 =	simm.s32 $0x180;
	[sflag:s4] =	ssyncadd.s32 $0xFFFFC000  }
0x1d: {  	[tilespmem:s8], [sflag:$0x2] =	stream.indirect.gather [hbm4b:s2+s6], $0x80, s14, s6, $0xb8;
	[tilespmem:$0x8400] =	vst v63  }
0x1e: {  	s16 =	sshrl.u32 s16, $0x3;
	_ =	swait.ge [sflag:s9], $0x4000  }
0x1f: {  	s21 =	sadd.s32 s15, s16;
	[sflag:s9] =	ssyncset.done $0x0  }
0x20: {  	s15 =	sadd.s32 $0x1000, s21;
	[sflag:s9] =	ssyncadd.s32 $0xFFFFC000  }
0x21: {  	[hbm4b:s15+s3] =	stream.linear.scatter [tilespmem:s7], [sflag:$0x3], $0x4000, $0x38;
	[tilespmem:$0x8400] =	vst v63  }
0x22: {  	_ =	swait.ge [sflag:s4], $0x4000  }
0x23: {  	[sflag:s4] =	ssyncset.done $0x0  }
0x24: {  	s16 =	simm.s32 $0x200;
	[sflag:s4] =	ssyncadd.s32 $0xFFFFC000  }
0x25: {  	[tilespmem:s7], [sflag:$0x1] =	stream.indirect.gather [hbm4b:s2+s6], $0x80, s16, s6, $0xb8;
	[tilespmem:$0x8400] =	vst v63  }
0x26: {  	_ =	swait.ge [sflag:s12], $0x4000  }
0x27: {  	[sflag:s12] =	ssyncset.done $0x0  }
0x28: {  	s17 =	sadd.s32 $0x1800, s21;
	[sflag:s12] =	ssyncadd.s32 $0xFFFFC000  }
0x29: {  	[hbm4b:s17+s3] =	stream.linear.scatter [tilespmem:s8], [sflag:$0x3], $0x4000, $0x38;
	[tilespmem:$0x8400] =	vst v63  }
0x2a: {  	_ =	swait.ge [sflag:s4], $0x4000  }
0x2b: {  	[sflag:s4] =	ssyncset.done $0x0  }
0x2c: {  	s18 =	simm.s32 $0x280;
	[sflag:s4] =	ssyncadd.s32 $0xFFFFC000  }
0x2d: {  	[tilespmem:s8], [sflag:$0x2] =	stream.indirect.gather [hbm4b:s2+s6], $0x80, s18, s6, $0xb8;
	[tilespmem:$0x8400] =	vst v63  }
0x2e: {  	_ =	swait.ge [sflag:s9], $0x4000  }
0x2f: {  	[sflag:s9] =	ssyncset.done $0x0  }
0x30: {  	s20 =	ssub.s32 $0x2, s20;
	s19 =	sadd.s32 $0x2000, s21;
	[sflag:s9] =	ssyncadd.s32 $0xFFFFC000  }
0x31: {  	[hbm4b:s19+s3] =	stream.linear.scatter [tilespmem:s7], [sflag:$0x3], $0x4000, $0x38;
	[tilespmem:$0x8400] =	vst v63  }
0x32: {  	s22 =	sshrl.u32 s20, $0x1;
	_ =	swait.ge [sflag:s4], $0x4000  }
0x33: {  	s22 =	ssub.s32 s20, s22;
	[sflag:s4] =	ssyncset.done $0x0  }
0x34: {  	s31 =	smax.u32 s22, $0x1;
	[sflag:s4] =	ssyncadd.s32 $0xFFFFC000  }
0x35: {  	p0 =	sne.s32 s31, $0x1;
	_ =	swait.ge [sflag:s12], $0x4000  }
.Ltmp0:
0x36: {  	[sflag:s12] =	ssyncset.done $0x0;
	(pc) =	sbr.rel @!p0 .LBB2_2-.Ltmp0, $4  }
0x37: {  	s20 =	sadd.s32 $0x2800, s21;
	[sflag:s12] =	ssyncadd.s32 $0xFFFFC000  }
0x38: {  	[hbm4b:s20+s3] =	stream.linear.scatter [tilespmem:s8], [sflag:$0x3], $0x4000, $0x38;
	[tilespmem:$0x8400] =	vst v63  }
0x39: {  	_ =	swait.ge [sflag:s4], $0x4000  }
0x3a: {  	s21 =	sadd.s32 $0xFFFFFFFF, s31;
	[sflag:s4] =	ssyncset.done $0x0  }
.LBB2_1:
0x3b: {  	p0 =	sne.s32 s21, $0x1;
	s21 =	sadd.s32 $0xFFFFFFFF, s21;
	[sflag:s4] =	ssyncadd.s32 $0xFFFFC000  }
0x3c: {  	[tilespmem:s3], [sflag:$0x3] =	stream.linear.gather [hbm4b:s5+s3], $0x300, $0x38;
	[tilespmem:$0x8400] =	vst v63  }
0x3d: {  	_ =	swait.ge [sflag:s4], $0x300  }
0x3e: {  	[sflag:s4] =	ssyncset.done $0x0  }
0x3f: {  	[sflag:s4] =	ssyncadd.s32 $0xFFFFFD00  }
0x40: {  	[tilespmem:s7], [sflag:$0x1] =	stream.indirect.gather [hbm4b:s2+s6], $0x80, s3, s6, $0xb8;
	[tilespmem:$0x8400] =	vst v63  }
0x41: {  	_ = 	snop  }
0x42: {  	[tilespmem:s8], [sflag:$0x2] =	stream.indirect.gather [hbm4b:s2+s6], $0x80, s6, s6, $0xb8;
	[tilespmem:$0x8400] =	vst v63  }
0x43: {  	_ =	swait.ge [sflag:s9], $0x4000  }
0x44: {  	[sflag:s9] =	ssyncset.done $0x0  }
0x45: {  	[sflag:s9] =	ssyncadd.s32 $0xFFFFC000  }
0x46: {  	[hbm4b:s10+s3] =	stream.linear.scatter [tilespmem:s7], [sflag:$0x3], $0x4000, $0x38;
	[tilespmem:$0x8400] =	vst v63  }
0x47: {  	_ =	swait.ge [sflag:s4], $0x4000  }
0x48: {  	[sflag:s4] =	ssyncset.done $0x0  }
0x49: {  	[sflag:s4] =	ssyncadd.s32 $0xFFFFC000  }
0x4a: {  	[tilespmem:s7], [sflag:$0x1] =	stream.indirect.gather [hbm4b:s2+s6], $0x80, s11, s6, $0xb8;
	[tilespmem:$0x8400] =	vst v63  }
0x4b: {  	_ =	swait.ge [sflag:s12], $0x4000  }
0x4c: {  	[sflag:s12] =	ssyncset.done $0x0  }
0x4d: {  	[sflag:s12] =	ssyncadd.s32 $0xFFFFC000  }
0x4e: {  	[hbm4b:s13+s3] =	stream.linear.scatter [tilespmem:s8], [sflag:$0x3], $0x4000, $0x38;
	[tilespmem:$0x8400] =	vst v63  }
0x4f: {  	_ =	swait.ge [sflag:s4], $0x4000  }
0x50: {  	[sflag:s4] =	ssyncset.done $0x0  }
0x51: {  	[sflag:s4] =	ssyncadd.s32 $0xFFFFC000  }
0x52: {  	[tilespmem:s8], [sflag:$0x2] =	stream.indirect.gather [hbm4b:s2+s6], $0x80, s14, s6, $0xb8;
	[tilespmem:$0x8400] =	vst v63  }
0x53: {  	_ =	swait.ge [sflag:s9], $0x4000  }
0x54: {  	[sflag:s9] =	ssyncset.done $0x0  }
0x55: {  	[sflag:s9] =	ssyncadd.s32 $0xFFFFC000  }
0x56: {  	[hbm4b:s15+s3] =	stream.linear.scatter [tilespmem:s7], [sflag:$0x3], $0x4000, $0x38;
	[tilespmem:$0x8400] =	vst v63  }
0x57: {  	_ =	swait.ge [sflag:s4], $0x4000  }
0x58: {  	[sflag:s4] =	ssyncset.done $0x0  }
0x59: {  	[sflag:s4] =	ssyncadd.s32 $0xFFFFC000  }
0x5a: {  	[tilespmem:s7], [sflag:$0x1] =	stream.indirect.gather [hbm4b:s2+s6], $0x80, s16, s6, $0xb8;
	[tilespmem:$0x8400] =	vst v63  }
0x5b: {  	_ =	swait.ge [sflag:s12], $0x4000  }
0x5c: {  	[sflag:s12] =	ssyncset.done $0x0  }
0x5d: {  	[sflag:s12] =	ssyncadd.s32 $0xFFFFC000  }
0x5e: {  	[hbm4b:s17+s3] =	stream.linear.scatter [tilespmem:s8], [sflag:$0x3], $0x4000, $0x38;
	[tilespmem:$0x8400] =	vst v63  }
0x5f: {  	_ =	swait.ge [sflag:s4], $0x4000  }
0x60: {  	[sflag:s4] =	ssyncset.done $0x0  }
0x61: {  	[sflag:s4] =	ssyncadd.s32 $0xFFFFC000  }
0x62: {  	[tilespmem:s8], [sflag:$0x2] =	stream.indirect.gather [hbm4b:s2+s6], $0x80, s18, s6, $0xb8;
	[tilespmem:$0x8400] =	vst v63  }
0x63: {  	_ =	swait.ge [sflag:s9], $0x4000  }
0x64: {  	[sflag:s9] =	ssyncset.done $0x0  }
0x65: {  	[sflag:s9] =	ssyncadd.s32 $0xFFFFC000  }
0x66: {  	[hbm4b:s19+s3] =	stream.linear.scatter [tilespmem:s7], [sflag:$0x3], $0x4000, $0x38;
	[tilespmem:$0x8400] =	vst v63  }
0x67: {  	_ =	swait.ge [sflag:s4], $0x4000  }
0x68: {  	[sflag:s4] =	ssyncset.done $0x0  }
0x69: {  	[sflag:s4] =	ssyncadd.s32 $0xFFFFC000  }
0x6a: {  	_ =	swait.ge [sflag:s12], $0x4000  }
.Ltmp1:
0x6b: {  	[sflag:s12] =	ssyncset.done $0x0;
	(pc) =	sbr.rel @p0 .LBB2_1-.Ltmp1, $4  }
0x6c: {  	[sflag:s12] =	ssyncadd.s32 $0xFFFFC000  }
0x6d: {  	[hbm4b:s20+s3] =	stream.linear.scatter [tilespmem:s8], [sflag:$0x3], $0x4000, $0x38;
	[tilespmem:$0x8400] =	vst v63  }
0x6e: {  	_ =	swait.ge [sflag:s4], $0x4000  }
0x6f: {  	[sflag:s4] =	ssyncset.done $0x0  }
.LBB2_2:
0x70: {  	[sflag:s4] =	ssyncadd.s32 $0xFFFFC000  }
0x71: {  	_ =	sfence.sel $0x180000  }
0x72: {  	[bflag:$0x0] =	sbarrier.arrive $0xFFFF  }
0x73: {  	p0 =	sne.s32 s0, $0x0;
	_ =	strace $0x90000047  }
0x74: {  	s0 =	sadd.s32 @!p0 $0x100000, s1;
	[bflag:$0x2] =	sbarrier.arrive $0xFFFF  }
0x75: {  	[sflag:s0] =	ssyncadd.tile.s32 @!p0 $0x1;
	_ =	shalt  }
.Lfunc_end2:
_tile_overlayer_lowered:
.L_overlay_start_2:
0x76: {  	(tag) =	ssettag $0x2  }
0x77: {  	s0 =	rddreg [dreg:$0x0];
	s2 =	stileid.u32  }
0x78: {  	s1 =	rddreg [dreg:$0x1];
	p0 =	sne.s32 s2, $0x0  }
0x79: {  	s3 =	rddreg [dreg:$0x2];
	[bflag:$0x3] =	sbarrier.arrive $0xFFFF;
	s2 =	simm.s32 @!p0 $0x1C03  }
0x7a: {  	[timem:s3], [sflag:s2] =	dma.local @!p0 [hbm:s0], s1  }
0x7b: {  	s0 =	simm.s32 @!p0 $0x3  }
0x7c: {  	_ =	swait.ge @!p0 [sflag:s0], s1  }
0x7d: {  	s1 =	ssub.s32 @!p0 $0x0, s1;
	[sflag:s0] =	ssyncset.done @!p0 $0x0  }
0x7e: {  	[sflag:s0] =	ssyncadd.s32 @!p0 s1  }
0x7f: {  	[bflag:$0x3] =	sbarrier.arrive $0xFFFF  }
0x80: {  	_ =	shalt  }

// kernel: kernel.9.cloned.1.call-start
scs
__scs_entry_jumppad:
0x0: {  	(pc) =	sbr.rel $0x88, $3  }
0x1: {  	(tag) =	ssettag $0x0;
	lr =	simm.s32 $0x1  }
0x2: {  	[smem:$0x3F99] =	sst lr;
	_ =	strace $0xD0000000  }
0x3: {  	_ = 	snop  }
0x4: {  	_ = 	snop  }
0x5: {  	_ = 	snop  }
0x6: {  	_ = 	snop  }
0x7: {  	_ = 	snop  }
__scs_overlays_trampoline_lowered:
0x8: {  	[smem:$0x3FA8] =	sst s0  }
0x9: {  	[smem:$0x3FA9] =	sst s1  }
0xa: {  	[smem:$0x3FAA] =	sst s2  }
0xb: {  	[smem:$0x3FAB] =	sst s3  }
0xc: {  	[smem:$0x3FAC] =	sst s4  }
0xd: {  	[smem:$0x3FAD] =	sst s5  }
0xe: {  	[smem:$0x3FAE] =	sst s6  }
0xf: {  	[smem:$0x3FAF] =	sst s7  }
0x10: {  	[smem:$0x3FB0] =	sst s8  }
0x11: {  	[smem:$0x3FB1] =	sst s9;
	s0 =	simm.s32 @!p0 $0x0  }
0x12: {  	s1 =	sld [smem:$0x3F97];
	s0 =	simm.s32 @p0 $0x1  }
0x13: {  	[smem:$0x3FB2] =	sst s0;
	s0 =	simm.s32 @!p1 $0x0  }
0x14: {  	s2 =	sld [smem:$0x3F96];
	s0 =	simm.s32 @p1 $0x1  }
0x15: {  	[smem:$0x3FB3] =	sst s0;
	s0 =	simm.s32 @!p2 $0x0  }
0x16: {  	s3 =	sld [smem:$0x3FDB];
	s0 =	simm.s32 @p2 $0x1  }
0x17: {  	s4 =	simm.s32 $0x1BF5;
	[smem:$0x3FB5] =	sst s0  }
0x18: {  	s0 =	sld [smem:$0x3F98];
	_ =	swait.ge [sflag:s4], $0x0  }
0x19: {  	s7 =	sld [smem:$0x3F99]  }
0x1a: {  	s8 =	sadd.s32 $0xFFFFE003, lr  }
0x1b: {  	s9 =	sadd.s32 $0xFFFFFEF7, lr;
	s5 =	simm.s32 $0xFFFFFFFF;
	p2 =	slt.u32 s8, $0xFFFFF086  }
0x1c: {  	p1 =	slt.u32 s9, $0xF7A;
	s5 =	simm.s32 @!p2 $0x0  }
0x1d: {  	s5 =	simm.s32 @p1 $0x1;
	p0 =	seq.s32 s7, s2  }
0x1e: {  	s7 =	smul.u32 @!p0 $0xF7A, s2;
	p2 =	seq.s32 @!p0 s5, $0x0  }
0x1f: {  	s9 =	smul.u32 $0xF7A, s1;
	s8 =	simm.s32 @!p0 $0x1BF5;
	p2 =	por !p2, p0  }
0x20: {  	[sflag:s8] =	ssyncset.s32 @!p0 $0xFFFFF086;
	s6 =	sadd.s32 @!p0 s3, s7;
	s7 =	simm.s32 @!p0 $0x108  }
0x21: {  	s3 =	sadd.s32 s3, s9;
	s6 =	sadd.s32 @!p0 $0x88, s6;
	s7 =	simm.s32 @p2 $0x1082  }
0x22: {  	[simem:s7], [sflag:s8] =	dma.local @!p0 [hbm:s6], $0xF7A  }
0x23: {  	s9 =	sor.u32 $0xD0000000, s2;
	s6 =	simm.s32 $0x108;
	_ =	swait.ge @!p0 [sflag:s8], $0x0  }
0x24: {  	s3 =	sadd.s32 $0x88, s3;
	s6 =	simm.s32 @!p1 $0x1082;
	[sflag:s4] =	ssyncset.s32 $0xFFFFF086  }
0x25: {  	[simem:s6], [sflag:s4] =	dma.local [hbm:s3], $0xF7A  }
0x26: {  	[smem:$0x3F99] =	sst s1;
	(tag) =	ssettag s2;
	_ =	strace s9  }
0x27: {  	s1 =	sld [smem:$0x3FA9]  }
0x28: {  	s2 =	sld [smem:$0x3FAA]  }
0x29: {  	s4 =	sld [smem:$0x3FAC]  }
0x2a: {  	p0 =	seq.s32 s5, $0x0;
	s5 =	sld [smem:$0x3FAD]  }
0x2b: {  	s6 =	sld [smem:$0x3FAE]  }
0x2c: {  	s7 =	sld [smem:$0x3FAF]  }
0x2d: {  	s3 =	simm.s32 $0x108;
	s8 =	sld [smem:$0x3FB0]  }
0x2e: {  	s3 =	simm.s32 @!p0 $0x1082;
	s9 =	sld [smem:$0x3FB1]  }
0x2f: {  	lr =	sadd.s32 s0, s3;
	s0 =	sld [smem:$0x3FA8]  }
0x30: {  	s3 =	sld [smem:$0x3FAB]  }
0x31: {  	[smem:$0x3FB4] =	sst s10  }
0x32: {  	s10 =	sld [smem:$0x3FB2];
	_ =	sdelay $0x3  }
0x33: {  	p0 =	seq.s32 s10, $0x1;
	s10 =	sld [smem:$0x3FB4];
	_ =	sdelay $0x3  }
0x34: {  	[smem:$0x3FB4] =	sst s10  }
0x35: {  	s10 =	sld [smem:$0x3FB3];
	_ =	sdelay $0x3  }
0x36: {  	p1 =	seq.s32 s10, $0x1;
	s10 =	sld [smem:$0x3FB4];
	_ =	sdelay $0x3  }
0x37: {  	[smem:$0x3FB4] =	sst s10  }
0x38: {  	s10 =	sld [smem:$0x3FB5]  }
0x39: {  	_ = 	snop;
	(pc) =	sbr.ind lr, $3  }
0x3a: {  	_ = 	snop  }
0x3b: {  	_ = 	snop  }
0x3c: {  	p2 =	seq.s32 s10, $0x1;
	s10 =	sld [smem:$0x3FB4]  }
0x3d: {  	_ =	shalt  }
0x3e: {  	_ =	shalt  }
0x3f: {  	_ =	shalt  }
0x40: {  	_ =	shalt  }
0x41: {  	_ =	shalt  }
0x42: {  	_ =	shalt  }
0x43: {  	_ =	shalt  }
0x44: {  	_ =	shalt  }
0x45: {  	_ =	shalt  }
0x46: {  	_ =	shalt  }
0x47: {  	_ =	shalt  }
0x48: {  	_ =	shalt  }
0x49: {  	_ =	shalt  }
0x4a: {  	_ =	shalt  }
0x4b: {  	_ =	shalt  }
0x4c: {  	_ =	shalt  }
0x4d: {  	_ =	shalt  }
0x4e: {  	_ =	shalt  }
0x4f: {  	_ =	shalt  }
0x50: {  	_ =	shalt  }
0x51: {  	_ =	shalt  }
0x52: {  	_ =	shalt  }
0x53: {  	_ =	shalt  }
0x54: {  	_ =	shalt  }
0x55: {  	_ =	shalt  }
0x56: {  	_ =	shalt  }
0x57: {  	_ =	shalt  }
0x58: {  	_ =	shalt  }
0x59: {  	_ =	shalt  }
0x5a: {  	_ =	shalt  }
0x5b: {  	_ =	shalt  }
0x5c: {  	_ =	shalt  }
0x5d: {  	_ =	shalt  }
0x5e: {  	_ =	shalt  }
0x5f: {  	_ =	shalt  }
0x60: {  	_ =	shalt  }
0x61: {  	_ =	shalt  }
0x62: {  	_ =	shalt  }
0x63: {  	_ =	shalt  }
0x64: {  	_ =	shalt  }
0x65: {  	_ =	shalt  }
0x66: {  	_ =	shalt  }
0x67: {  	_ =	shalt  }
0x68: {  	_ =	shalt  }
0x69: {  	_ =	shalt  }
0x6a: {  	_ =	shalt  }
0x6b: {  	_ =	shalt  }
0x6c: {  	_ =	shalt  }
0x6d: {  	_ =	shalt  }
0x6e: {  	_ =	shalt  }
0x6f: {  	_ =	shalt  }
0x70: {  	_ =	shalt  }
0x71: {  	_ =	shalt  }
0x72: {  	_ =	shalt  }
0x73: {  	_ =	shalt  }
0x74: {  	_ =	shalt  }
0x75: {  	_ =	shalt  }
0x76: {  	_ =	shalt  }
0x77: {  	_ =	shalt  }
0x78: {  	_ =	shalt  }
0x79: {  	_ =	shalt  }
0x7a: {  	_ =	shalt  }
0x7b: {  	_ =	shalt  }
0x7c: {  	_ =	shalt  }
0x7d: {  	_ =	shalt  }
0x7e: {  	_ =	shalt  }
0x7f: {  	_ =	shalt  }
0x80: {  	_ =	shalt  }
0x81: {  	_ =	shalt  }
0x82: {  	_ =	shalt  }
0x83: {  	_ =	shalt  }
0x84: {  	_ =	shalt  }
0x85: {  	_ =	shalt  }
0x86: {  	_ =	shalt  }
0x87: {  	_ =	shalt  }
.Lfunc_end0:
.L_simem_size_0:
called_computation.1_lowered:
.L_overlay_start_0:
0x88: {  	s2 =	sld [smem:$0x3FD9]  }
0x89: {  	s3 =	sld [smem:$0x3FFE];
	_ =	sdelay $0x1  }
0x8a: {  	s1 =	srdreg.scid  }
0x8b: {  	s0 =	sand.u32 $0x1, s1  }
0x8c: {  	s17 =	sshll.u32 s0, $0xA;
	s2 =	sadd.s32 s3, s2  }
0x8d: {  	s2 =	sadd.s32 s2, s17  }
0x8e: {  	[smem:$0x3FC0] =	sst s2  }
0x8f: {  	_ = 	snop  }
0x90: {  	s18 =	sld [smem:$0x3FC9];
	(tm) =	ssettm $0x1  }
0x91: {  	s19 =	sld [smem:$0x3FFB];
	_ =	sdelay $0x3  }
0x92: {  	_ =	strace s19  }
0x93: {  	s2 =	sld [smem:$0x3FFC];
	_ =	sdelay $0x3  }
0x94: {  	_ =	strace s2  }
0x95: {  	s2 =	sld [smem:$0x3FFD];
	_ =	sdelay $0x3  }
0x96: {  	_ =	strace s2  }
0x97: {  	_ =	strace $0x8FFFFFFF  }
0x98: {  	s20 =	sld [smem:$0x3FDB];
	_ =	sdelay $0x1  }
0x99: {  	s4 =	simm.s32 $_scs_section_size  }
0x9a: {  	s5 =	simm.s32 $_size__tile_overlayer_lowered;
	s6 =	simm.s32 $_tile_overlayer_lowered  }
0x9b: {  	s7 =	simm.s32 $0x1BFF;
	s21 =	sshll.u32 s6, $0x1;
	s4 =	sadd.s32 s4, s20  }
0x9c: {  	s22 =	simm.s32 $0x0;
	s5 =	sshll.u32 s5, $0x1;
	s6 =	sadd.s32 s21, s4  }
0x9d: {  	[timem:s22], [sflag:s7] =	dma.local [hbm:s6], s5  }
0x9e: {  	_ =	swait.ge [sflag:s7], s5  }
0x9f: {  	s5 =	ssub.s32 $0x0, s5;
	[sflag:s7] =	ssyncset.done $0x0  }
0xa0: {  	[sflag:s7] =	ssyncadd.s32 s5;
	_ =	sdelay $0x1  }
0xa1: {  	s23 =	simm.s32 $0x1B8B  }
0xa2: {  	_ =	swait.ge [sflag:s23], $0x1  }
0xa3: {  	[sflag:s23] =	ssyncset.done $0x0  }
0xa4: {  	[sflag:s23] =	ssyncadd.s32 $0xFFFFFFFF  }
0xa5: {  	s5 =	sld [smem:$0x0]  }
0xa6: {  	s6 =	sand.u32 $0xFFFFFFFE, s1  }
0xa7: {  	p0 =	sne.s32 s1, s6  }
0xa8: {  	s6 =	sshll.u32 @p0 s6, $0xE  }
0xa9: {  	s6 =	sadd.s32 @p0 $0x11B8D, s6;
	s7 =	sshll.u32 @p0 s5, $0x11  }
0xaa: {  	s6 =	sor.u32 @p0 s7, s6  }
0xab: {  	[sflag:s6] =	ssyncadd.remote.s32 @p0 $0x1;
	_ =	sdelay $0x1  }
0xac: {  	s6 =	simm.s32 @p0 $0x1B8D  }
0xad: {  	_ =	swait.eq @p0 [sflag:s6], $0x1  }
0xae: {  	[sflag:s6] =	ssyncadd.s32 @p0 $0xFFFFFFFF  }
0xaf: {  	s7 =	sshll.u32 @!p0 s1, $0xE  }
0xb0: {  	s7 =	sor.u32 @!p0 $0x4000, s7;
	s6 =	simm.s32 @!p0 $0x1B8D  }
0xb1: {  	s5 =	sshll.u32 @!p0 s5, $0x11;
	s7 =	sadd.s32 @!p0 $0x11B8D, s7;
	_ =	swait.eq @!p0 [sflag:s6], $0x1  }
0xb2: {  	s5 =	sor.u32 @!p0 s5, s7;
	[sflag:s6] =	ssyncadd.s32 @!p0 $0xFFFFFFFF  }
0xb3: {  	s25 =	simm.s32 $0x1B8E;
	s24 =	sld [smem:$0x3FFE];
	[sflag:s5] =	ssyncadd.remote.s32 @!p0 $0x1  }
0xb4: {  	s26 =	simm.s32 $execute0_lowered;
	[smem:$0x3FD2] =	sst s25  }
0xb5: {  	s6 =	sshll.u32 s26, $0x1;
	_ =	strace $0x80000049;
	[dreg:$0x1] =	wrdreg $0xFFFFFFFF  }
0xb6: {  	s28 =	simm.s32 $_size_execute0_lowered;
	s4 =	sadd.s32 s4, s6;
	[dreg:$0x0] =	wrdreg $0x0  }
0xb7: {  	s6 =	sshll.u32 s28, $0x1;
	[dreg:$0x2] =	wrdreg s4  }
0xb8: {  	[dreg:$0x3] =	wrdreg s6  }
0xb9: {  	[dreg:$0x4] =	wrdreg $0xC0  }
0xba: {  	_ =	task [dreg:s22], $0x5FFFF  }
0xbb: {  	[dreg:$0x1] =	wrdreg $0xFFFFFFFF  }
0xbc: {  	[dreg:$0x0] =	wrdreg $0x60  }
0xbd: {  	[dreg:$0x2] =	wrdreg s18  }
0xbe: {  	[dreg:$0x3] =	wrdreg s24  }
0xbf: {  	[dreg:$0x4] =	wrdreg $0xA  }
0xc0: {  	_ =	task.clear_ibuf [dreg:s22], $0x5FFFF;
	_ =	strace $0x90000049  }
0xc1: {  	s29 =	simm.s32 $0xA;
	_ =	strace $0x8000004B  }
0xc2: {  	_ =	swait.ge [sflag:s29], $0x1  }
0xc3: {  	[sflag:s29] =	ssyncadd.s32 $0xFFFFFFFF  }
0xc4: {  	_ =	strace $0x9000004B  }
0xc5: {  	_ =	sfence  }
0xc6: {  	s30 =	sld [smem:$0x0];
	_ =	sdelay $0x2  }
0xc7: {  	s31 =	sshll.u32 s1, $0xD;
	s1 =	sshrl.u32 s1, $0x2  }
0xc8: {  	s4 =	sand.u32 $0x4000, s31;
	s1 =	sadd.s32 s1, s30  }
0xc9: {  	s0 =	sor.u32 s4, s0;
	s1 =	sshll.u32 s1, $0x11  }
0xca: {  	s0 =	sor.u32 s1, s0  }
0xcb: {  	s0 =	sadd.s32 $0x8F2B, s0  }
0xcc: {  	[sflag:s0] =	ssyncadd.remote.s32 $0x1  }
0xcd: {  	_ =	sfence.sel $0xFFFF  }
0xce: {  	[dreg:$0x0] =	wrdreg $0xFFFFFFFF;
	(pc) =	sbr.abs _section_cstart, $3  }
0xcf: {  	[dreg:$0x1] =	wrdreg $0xFFFFFFFF  }
0xd0: {  	_ =	task.clear_ibuf [dreg:s22], $0x2FFFF;
	_ =	strace $0x9FFFFFFF  }
0xd1: {  	(tm) =	ssettm $0x7FFFFFFF  }
tec
execute0_lowered:
.L_overlay_start_1:
0x0: {  	(tag) =	ssettag $0x1  }
0x1: {  	s1 =	srdreg.scid;
	s0 =	stileid.u32  }
0x2: {  	s2 =	rddreg [dreg:$0x0];
	s20 =	sand.u32 $0x1, s1;
	s30 =	sshll.u32 s0, $0x1  }
0x3: {  	s10 =	rddreg [dreg:$0x1];
	s14 =	sor.u32 s20, s30  }
0x4: {  	s3 =	simm.s32 $0x0;
	s1 =	rddreg [dreg:$0x2];
	s4 =	sshll.u32 s14, $0x7  }
0x5: {  	[smem:$0x7FF] =	sst s3;
	s4 =	sadd.s32 s4, s10  }
0x6: {  	_ =	strace $0x8000004A;
	s5 =	sadd.s32 $0x62400, s4;
	s4 =	simm.s32 $0x3  }
0x7: {  	[tilespmem:s3], [sflag:$0x3] =	stream.linear.gather [hbm4b:s5+s3], $0x300, $0x38;
	[tilespmem:$0x8400] =	vst v63  }
0x8: {  	_ =	swait.ge [sflag:s4], $0x300  }
0x9: {  	[sflag:s4] =	ssyncset.done $0x0  }
0xa: {  	s6 =	simm.s32 $0x80;
	s7 =	simm.s32 $0x400;
	[sflag:s4] =	ssyncadd.s32 $0xFFFFFD00  }
0xb: {  	[tilespmem:s7], [sflag:$0x1] =	stream.indirect.gather [hbm4b:s2+s6], $0x80, s3, s6, $0xb8;
	[tilespmem:$0x8400] =	vst v63  }
0xc: {  	s8 =	simm.s32 $0x4400;
	s9 =	simm.s32 $0x1  }
0xd: {  	[tilespmem:s8], [sflag:$0x2] =	stream.indirect.gather [hbm4b:s2+s6], $0x80, s6, s6, $0xb8;
	[tilespmem:$0x8400] =	vst v63  }
0xe: {  	s11 =	smul.u32 $0x3000, s14;
	_ =	swait.ge [sflag:s9], $0x4000  }
0xf: {  	s15 =	sadd.s32 $0x63400, s10;
	[sflag:s9] =	ssyncset.done $0x0  }
0x10: {  	s10 =	sadd.s32 s15, s11;
	[sflag:s9] =	ssyncadd.s32 $0xFFFFC000  }
0x11: {  	[hbm4b:s10+s3] =	stream.linear.scatter [tilespmem:s7], [sflag:$0x3], $0x4000, $0x38;
	[tilespmem:$0x8400] =	vst v63  }
0x12: {  	_ =	swait.ge [sflag:s4], $0x4000  }
0x13: {  	[sflag:s4] =	ssyncset.done $0x0  }
0x14: {  	s12 =	simm.s32 $0x2;
	s11 =	simm.s32 $0x100;
	[sflag:s4] =	ssyncadd.s32 $0xFFFFC000  }
0x15: {  	[tilespmem:s7], [sflag:$0x1] =	stream.indirect.gather [hbm4b:s2+s6], $0x80, s11, s6, $0xb8;
	[tilespmem:$0x8400] =	vst v63  }
0x16: {  	_ =	swait.ge [sflag:s12], $0x4000  }
0x17: {  	[sflag:s12] =	ssyncset.done $0x0  }
0x18: {  	s13 =	sadd.s32 $0x800, s10;
	[sflag:s12] =	ssyncadd.s32 $0xFFFFC000  }
0x19: {  	[hbm4b:s13+s3] =	stream.linear.scatter [tilespmem:s8], [sflag:$0x3], $0x4000, $0x38;
	[tilespmem:$0x8400] =	vst v63  }
0x1a: {  	_ =	swait.ge [sflag:s4], $0x4000  }
0x1b: {  	[sflag:s4] =	ssyncset.done $0x0  }
0x1c: {  	s16 =	smul.u32 $0x18000, s14;
	s14 =	simm.s32 $0x180;
	[sflag:s4] =	ssyncadd.s32 $0xFFFFC000  }
0x1d: {  	[tilespmem:s8], [sflag:$0x2] =	stream.indirect.gather [hbm4b:s2+s6], $0x80, s14, s6, $0xb8;
	[tilespmem:$0x8400] =	vst v63  }
0x1e: {  	s16 =	sshrl.u32 s16, $0x3;
	_ =	swait.ge [sflag:s9], $0x4000  }
0x1f: {  	s21 =	sadd.s32 s15, s16;
	[sflag:s9] =	ssyncset.done $0x0  }
0x20: {  	s15 =	sadd.s32 $0x1000, s21;
	[sflag:s9] =	ssyncadd.s32 $0xFFFFC000  }
0x21: {  	[hbm4b:s15+s3] =	stream.linear.scatter [tilespmem:s7], [sflag:$0x3], $0x4000, $0x38;
	[tilespmem:$0x8400] =	vst v63  }
0x22: {  	_ =	swait.ge [sflag:s4], $0x4000  }
0x23: {  	[sflag:s4] =	ssyncset.done $0x0  }
0x24: {  	s16 =	simm.s32 $0x200;
	[sflag:s4] =	ssyncadd.s32 $0xFFFFC000  }
0x25: {  	[tilespmem:s7], [sflag:$0x1] =	stream.indirect.gather [hbm4b:s2+s6], $0x80, s16, s6, $0xb8;
	[tilespmem:$0x8400] =	vst v63  }
0x26: {  	_ =	swait.ge [sflag:s12], $0x4000  }
0x27: {  	[sflag:s12] =	ssyncset.done $0x0  }
0x28: {  	s17 =	sadd.s32 $0x1800, s21;
	[sflag:s12] =	ssyncadd.s32 $0xFFFFC000  }
0x29: {  	[hbm4b:s17+s3] =	stream.linear.scatter [tilespmem:s8], [sflag:$0x3], $0x4000, $0x38;
	[tilespmem:$0x8400] =	vst v63  }
0x2a: {  	_ =	swait.ge [sflag:s4], $0x4000  }
0x2b: {  	[sflag:s4] =	ssyncset.done $0x0  }
0x2c: {  	s18 =	simm.s32 $0x280;
	[sflag:s4] =	ssyncadd.s32 $0xFFFFC000  }
0x2d: {  	[tilespmem:s8], [sflag:$0x2] =	stream.indirect.gather [hbm4b:s2+s6], $0x80, s18, s6, $0xb8;
	[tilespmem:$0x8400] =	vst v63  }
0x2e: {  	_ =	swait.ge [sflag:s9], $0x4000  }
0x2f: {  	[sflag:s9] =	ssyncset.done $0x0  }
0x30: {  	s20 =	ssub.s32 $0x2, s20;
	s19 =	sadd.s32 $0x2000, s21;
	[sflag:s9] =	ssyncadd.s32 $0xFFFFC000  }
0x31: {  	[hbm4b:s19+s3] =	stream.linear.scatter [tilespmem:s7], [sflag:$0x3], $0x4000, $0x38;
	[tilespmem:$0x8400] =	vst v63  }
0x32: {  	s22 =	sshrl.u32 s20, $0x1;
	_ =	swait.ge [sflag:s4], $0x4000  }
0x33: {  	s22 =	ssub.s32 s20, s22;
	[sflag:s4] =	ssyncset.done $0x0  }
0x34: {  	s31 =	smax.u32 s22, $0x1;
	[sflag:s4] =	ssyncadd.s32 $0xFFFFC000  }
0x35: {  	p0 =	sne.s32 s31, $0x1;
	_ =	swait.ge [sflag:s12], $0x4000  }
.Ltmp0:
0x36: {  	[sflag:s12] =	ssyncset.done $0x0;
	(pc) =	sbr.rel @!p0 .LBB2_2-.Ltmp0, $4  }
0x37: {  	s20 =	sadd.s32 $0x2800, s21;
	[sflag:s12] =	ssyncadd.s32 $0xFFFFC000  }
0x38: {  	[hbm4b:s20+s3] =	stream.linear.scatter [tilespmem:s8], [sflag:$0x3], $0x4000, $0x38;
	[tilespmem:$0x8400] =	vst v63  }
0x39: {  	_ =	swait.ge [sflag:s4], $0x4000  }
0x3a: {  	s21 =	sadd.s32 $0xFFFFFFFF, s31;
	[sflag:s4] =	ssyncset.done $0x0  }
.LBB2_1:
0x3b: {  	p0 =	sne.s32 s21, $0x1;
	s21 =	sadd.s32 $0xFFFFFFFF, s21;
	[sflag:s4] =	ssyncadd.s32 $0xFFFFC000  }
0x3c: {  	[tilespmem:s3], [sflag:$0x3] =	stream.linear.gather [hbm4b:s5+s3], $0x300, $0x38;
	[tilespmem:$0x8400] =	vst v63  }
0x3d: {  	_ =	swait.ge [sflag:s4], $0x300  }
0x3e: {  	[sflag:s4] =	ssyncset.done $0x0  }
0x3f: {  	[sflag:s4] =	ssyncadd.s32 $0xFFFFFD00  }
0x40: {  	[tilespmem:s7], [sflag:$0x1] =	stream.indirect.gather [hbm4b:s2+s6], $0x80, s3, s6, $0xb8;
	[tilespmem:$0x8400] =	vst v63  }
0x41: {  	_ = 	snop  }
0x42: {  	[tilespmem:s8], [sflag:$0x2] =	stream.indirect.gather [hbm4b:s2+s6], $0x80, s6, s6, $0xb8;
	[tilespmem:$0x8400] =	vst v63  }
0x43: {  	_ =	swait.ge [sflag:s9], $0x4000  }
0x44: {  	[sflag:s9] =	ssyncset.done $0x0  }
0x45: {  	[sflag:s9] =	ssyncadd.s32 $0xFFFFC000  }
0x46: {  	[hbm4b:s10+s3] =	stream.linear.scatter [tilespmem:s7], [sflag:$0x3], $0x4000, $0x38;
	[tilespmem:$0x8400] =	vst v63  }
0x47: {  	_ =	swait.ge [sflag:s4], $0x4000  }
0x48: {  	[sflag:s4] =	ssyncset.done $0x0  }
0x49: {  	[sflag:s4] =	ssyncadd.s32 $0xFFFFC000  }
0x4a: {  	[tilespmem:s7], [sflag:$0x1] =	stream.indirect.gather [hbm4b:s2+s6], $0x80, s11, s6, $0xb8;
	[tilespmem:$0x8400] =	vst v63  }
0x4b: {  	_ =	swait.ge [sflag:s12], $0x4000  }
0x4c: {  	[sflag:s12] =	ssyncset.done $0x0  }
0x4d: {  	[sflag:s12] =	ssyncadd.s32 $0xFFFFC000  }
0x4e: {  	[hbm4b:s13+s3] =	stream.linear.scatter [tilespmem:s8], [sflag:$0x3], $0x4000, $0x38;
	[tilespmem:$0x8400] =	vst v63  }
0x4f: {  	_ =	swait.ge [sflag:s4], $0x4000  }
0x50: {  	[sflag:s4] =	ssyncset.done $0x0  }
0x51: {  	[sflag:s4] =	ssyncadd.s32 $0xFFFFC000  }
0x52: {  	[tilespmem:s8], [sflag:$0x2] =	stream.indirect.gather [hbm4b:s2+s6], $0x80, s14, s6, $0xb8;
	[tilespmem:$0x8400] =	vst v63  }
0x53: {  	_ =	swait.ge [sflag:s9], $0x4000  }
0x54: {  	[sflag:s9] =	ssyncset.done $0x0  }
0x55: {  	[sflag:s9] =	ssyncadd.s32 $0xFFFFC000  }
0x56: {  	[hbm4b:s15+s3] =	stream.linear.scatter [tilespmem:s7], [sflag:$0x3], $0x4000, $0x38;
	[tilespmem:$0x8400] =	vst v63  }
0x57: {  	_ =	swait.ge [sflag:s4], $0x4000  }
0x58: {  	[sflag:s4] =	ssyncset.done $0x0  }
0x59: {  	[sflag:s4] =	ssyncadd.s32 $0xFFFFC000  }
0x5a: {  	[tilespmem:s7], [sflag:$0x1] =	stream.indirect.gather [hbm4b:s2+s6], $0x80, s16, s6, $0xb8;
	[tilespmem:$0x8400] =	vst v63  }
0x5b: {  	_ =	swait.ge [sflag:s12], $0x4000  }
0x5c: {  	[sflag:s12] =	ssyncset.done $0x0  }
0x5d: {  	[sflag:s12] =	ssyncadd.s32 $0xFFFFC000  }
0x5e: {  	[hbm4b:s17+s3] =	stream.linear.scatter [tilespmem:s8], [sflag:$0x3], $0x4000, $0x38;
	[tilespmem:$0x8400] =	vst v63  }
0x5f: {  	_ =	swait.ge [sflag:s4], $0x4000  }
0x60: {  	[sflag:s4] =	ssyncset.done $0x0  }
0x61: {  	[sflag:s4] =	ssyncadd.s32 $0xFFFFC000  }
0x62: {  	[tilespmem:s8], [sflag:$0x2] =	stream.indirect.gather [hbm4b:s2+s6], $0x80, s18, s6, $0xb8;
	[tilespmem:$0x8400] =	vst v63  }
0x63: {  	_ =	swait.ge [sflag:s9], $0x4000  }
0x64: {  	[sflag:s9] =	ssyncset.done $0x0  }
0x65: {  	[sflag:s9] =	ssyncadd.s32 $0xFFFFC000  }
0x66: {  	[hbm4b:s19+s3] =	stream.linear.scatter [tilespmem:s7], [sflag:$0x3], $0x4000, $0x38;
	[tilespmem:$0x8400] =	vst v63  }
0x67: {  	_ =	swait.ge [sflag:s4], $0x4000  }
0x68: {  	[sflag:s4] =	ssyncset.done $0x0  }
0x69: {  	[sflag:s4] =	ssyncadd.s32 $0xFFFFC000  }
0x6a: {  	_ =	swait.ge [sflag:s12], $0x4000  }
.Ltmp1:
0x6b: {  	[sflag:s12] =	ssyncset.done $0x0;
	(pc) =	sbr.rel @p0 .LBB2_1-.Ltmp1, $4  }
0x6c: {  	[sflag:s12] =	ssyncadd.s32 $0xFFFFC000  }
0x6d: {  	[hbm4b:s20+s3] =	stream.linear.scatter [tilespmem:s8], [sflag:$0x3], $0x4000, $0x38;
	[tilespmem:$0x8400] =	vst v63  }
0x6e: {  	_ =	swait.ge [sflag:s4], $0x4000  }
0x6f: {  	[sflag:s4] =	ssyncset.done $0x0  }
.LBB2_2:
0x70: {  	[sflag:s4] =	ssyncadd.s32 $0xFFFFC000  }
0x71: {  	_ =	sfence.sel $0x180000  }
0x72: {  	[bflag:$0x0] =	sbarrier.arrive $0xFFFF  }
0x73: {  	p0 =	sne.s32 s0, $0x0;
	_ =	strace $0x9000004A  }
0x74: {  	s0 =	sadd.s32 @!p0 $0x100000, s1;
	[bflag:$0x2] =	sbarrier.arrive $0xFFFF  }
0x75: {  	[sflag:s0] =	ssyncadd.tile.s32 @!p0 $0x1;
	_ =	shalt  }
.Lfunc_end2:
_tile_overlayer_lowered:
.L_overlay_start_2:
0x76: {  	(tag) =	ssettag $0x2  }
0x77: {  	s0 =	rddreg [dreg:$0x0];
	s2 =	stileid.u32  }
0x78: {  	s1 =	rddreg [dreg:$0x1];
	p0 =	sne.s32 s2, $0x0  }
0x79: {  	s3 =	rddreg [dreg:$0x2];
	[bflag:$0x3] =	sbarrier.arrive $0xFFFF;
	s2 =	simm.s32 @!p0 $0x1C03  }
0x7a: {  	[timem:s3], [sflag:s2] =	dma.local @!p0 [hbm:s0], s1  }
0x7b: {  	s0 =	simm.s32 @!p0 $0x3  }
0x7c: {  	_ =	swait.ge @!p0 [sflag:s0], s1  }
0x7d: {  	s1 =	ssub.s32 @!p0 $0x0, s1;
	[sflag:s0] =	ssyncset.done @!p0 $0x0  }
0x7e: {  	[sflag:s0] =	ssyncadd.s32 @!p0 s1  }
0x7f: {  	[bflag:$0x3] =	sbarrier.arrive $0xFFFF  }
0x80: {  	_ =	shalt  }

</sc_bundles>
